<compile_context>
chip_gen: v7x
topology: tpu7x:2x2x1
jax: 0.10.2.dev20260603
libtpu: 0.0.44.dev20260713+nightly
codegen_flags: <defaults>
</compile_context>

<pallas_src>
import functools

import jax
import jax.numpy as jnp
from jax import lax
from jax.experimental import pallas as pl
from jax.experimental.pallas import tpu as pltpu
from jax.experimental.pallas import tpu_sc as plsc

TOKENS = 8192
DIM = 4096
NUM_EXPERTS = 64
BT = 512
NB = TOKENS // BT
BT2 = 2048
NB2 = TOKENS // BT2
NW = 32
TPW = TOKENS // NW
CHUNK = 16
NCHUNK = TPW // CHUNK

_HI = jax.lax.Precision.HIGHEST


def _router_block(x_ref, w_ref, p_ref, counts_ref,
                  meta_s, probs_s, offs_s, carry_ref):
    b = pl.program_id(0)

    @pl.when(b == 0)
    def _init():
        carry_ref[...] = jnp.zeros_like(carry_ref)

    @pl.when(b < NB)
    def _phase_a():
        x = x_ref[...]
        w = w_ref[...]
        scores = lax.dot_general(x, w, (((1,), (1,)), ((), ())),
                                 preferred_element_type=jnp.float32)
        col = lax.broadcasted_iota(jnp.int32, (BT, NUM_EXPERTS), 1)
        m1 = jnp.max(scores, axis=1, keepdims=True)
        idx1 = jnp.min(jnp.where(scores == m1, col, NUM_EXPERTS), axis=1,
                       keepdims=True)
        is1 = col == idx1
        masked = jnp.where(is1, -jnp.inf, scores)
        m2 = jnp.max(masked, axis=1, keepdims=True)
        idx2 = jnp.min(jnp.where(masked == m2, col, NUM_EXPERTS), axis=1,
                       keepdims=True)
        is2 = col == idx2
        z = jnp.exp(m2 - m1)
        q1 = 1.0 / (1.0 + z)
        q2 = z / (1.0 + z)
        combined = is1.astype(jnp.float32) + is2.astype(jnp.float32)
        rowi = lax.broadcasted_iota(jnp.int32, (BT, BT), 0)
        coli = lax.broadcasted_iota(jnp.int32, (BT, BT), 1)
        tri = (rowi >= coli).astype(jnp.float32)
        incl = lax.dot_general(tri, combined, (((1,), (0,)), ((), ())),
                               preferred_element_type=jnp.float32)
        excl = incl - combined
        base = carry_ref[0:1, 0:NUM_EXPERTS]
        cnt = excl + base
        r0 = jnp.sum(jnp.where(is1, cnt, 0.0), axis=1, keepdims=True)
        r1 = jnp.sum(jnp.where(is2, cnt, 0.0), axis=1, keepdims=True)
        carry_ref[0:1, 0:NUM_EXPERTS] = base + incl[BT - 1:BT, :]
        zi = jnp.zeros((BT, 124), jnp.int32)
        meta_s[pl.ds(b * BT, BT), :] = jnp.concatenate(
            [idx1, idx2, r0.astype(jnp.int32), r1.astype(jnp.int32), zi],
            axis=1)
        zf = jnp.zeros((BT, 126), jnp.float32)
        probs_s[pl.ds(b * BT, BT), :] = jnp.concatenate([q1, q2, zf], axis=1)

        @pl.when(b == NB - 1)
        def _fin():
            counts_ref[...] = carry_ref[...]

    @pl.when(b >= NB)
    def _phase_b():
        @pl.when(b == NB)
        def _mkoffs():
            r128 = lax.broadcasted_iota(jnp.int32, (128, 128), 0)
            c128 = lax.broadcasted_iota(jnp.int32, (128, 128), 1)
            below = (r128 < c128).astype(jnp.float32)
            offs_s[...] = lax.dot_general(carry_ref[...], below,
                                          (((1,), (0,)), ((), ())),
                                          preferred_element_type=jnp.float32,
                                          precision=_HI)

        bb = b - NB
        ms = meta_s[pl.ds(bb * BT2, BT2), :]
        qs = probs_s[pl.ds(bb * BT2, BT2), :]
        col = lax.broadcasted_iota(jnp.int32, (BT2, NUM_EXPERTS), 1)
        offs = offs_s[0:1, 0:NUM_EXPERTS]
        zero = jnp.zeros((BT2, NUM_EXPERTS), jnp.float32)
        o0 = jnp.sum(jnp.where(col == ms[:, 0:1], offs + zero, 0.0),
                     axis=1, keepdims=True)
        o1 = jnp.sum(jnp.where(col == ms[:, 1:2], offs + zero, 0.0),
                     axis=1, keepdims=True)
        p0 = o0 + ms[:, 2:3].astype(jnp.float32)
        p1 = o1 + ms[:, 3:4].astype(jnp.float32)
        pt = jnp.transpose(jnp.concatenate([p0, p1], axis=1), (1, 0))
        qt = jnp.transpose(qs[:, 0:2], (1, 0))
        p_ref[...] = jnp.concatenate(
            [pt.astype(jnp.int32),
             lax.bitcast_convert_type(qt, jnp.int32),
             jnp.zeros((4, BT2), jnp.int32)], axis=0)


_router = pl.pallas_call(
    _router_block,
    grid=(NB + NB2,),
    in_specs=[
        pl.BlockSpec((BT, DIM), lambda b: (jnp.minimum(b, NB - 1), 0)),
        pl.BlockSpec((NUM_EXPERTS, DIM), lambda b: (0, 0)),
    ],
    out_specs=[
        pl.BlockSpec((8, BT2), lambda b: (0, jnp.maximum(b - NB, 0))),
        pl.BlockSpec((8, 128), lambda b: (0, 0)),
    ],
    out_shape=[
        jax.ShapeDtypeStruct((8, TOKENS), jnp.int32),
        jax.ShapeDtypeStruct((8, 128), jnp.float32),
    ],
    scratch_shapes=[
        pltpu.VMEM((TOKENS, 128), jnp.int32),
        pltpu.VMEM((TOKENS, 128), jnp.float32),
        pltpu.VMEM((8, 128), jnp.float32),
        pltpu.VMEM((8, 128), jnp.float32),
    ],
)


HDIM = DIM // 2


def _dispatch_body(x_hbm, pqi_hbm, pqf_hbm, xg_hbm, sc_hbm, ss_hbm,
                   pqi_v, pqf_v, buf0, buf1, d00, d01, d10, d11,
                   p0w, p1w, vtw, q0w, q1w,
                   sem_l0, sem_l1, sem_s0, sem_s1, sem_w0, sem_w1,
                   sem_p0, sem_p1):
    cid = lax.axis_index("c")
    sid = lax.axis_index("s")
    wid = sid * 2 + cid
    base_tok = wid * TPW
    iota = lax.iota(jnp.int32, 16)

    def drain(src, dst, sem):
        pltpu.make_async_copy(src, dst, sem).wait()

    def load(tok, h, buf, sem):
        pltpu.async_copy(
            x_hbm.at[pl.ds(tok, CHUNK), pl.ds(h * HDIM, HDIM)], buf, sem)

    def drain_load(tok, h, buf, sem):
        pltpu.make_async_copy(
            x_hbm.at[pl.ds(tok, CHUNK), pl.ds(h * HDIM, HDIM)], buf,
            sem).wait()

    def pq_start(c, wi, sem):
        pltpu.async_copy(pqi_hbm.at[wid * NCHUNK + c], pqi_v.at[wi], sem)
        pltpu.async_copy(pqf_hbm.at[wid * NCHUNK + c], pqf_v.at[wi], sem)

    def pq_drain(c, wi, sem):
        pltpu.make_async_copy(
            pqi_hbm.at[wid * NCHUNK + c], pqi_v.at[wi], sem).wait()
        pltpu.make_async_copy(
            pqf_hbm.at[wid * NCHUNK + c], pqf_v.at[wi], sem).wait()

    load(base_tok, 0, buf0, sem_l0)
    pq_start(0, 0, sem_p0)

    @pl.loop(0, NCHUNK, step=2)
    def _outer(cbase):
        for cc in (0, 1):
            c = cbase + cc
            tok = base_tok + c * CHUNK
            wi = cc
            sem_w = sem_w0 if cc == 0 else sem_w1
            sem_p = sem_p0 if cc == 0 else sem_p1
            sem_pn = sem_p1 if cc == 0 else sem_p0
            pq_drain(c, wi, sem_p)
            @pl.when(c < NCHUNK - 1)
            def _pq_next():
                pq_start(c + 1, 1 - wi, sem_pn)
            p0v = pqi_v[wi, 0]
            p1v = pqi_v[wi, 1]
            drain_load(tok, 0, buf0, sem_l0)
            d00[...] = p0v
            d01[...] = p1v
            pltpu.async_copy(buf0, xg_hbm.at[d00, pl.ds(0, HDIM)], sem_s0)
            pltpu.async_copy(buf0, xg_hbm.at[d01, pl.ds(0, HDIM)], sem_s0)
            @pl.when(c >= 2)
            def _drain_words():
                drain(vtw.at[wi], sc_hbm.at[p0w.at[wi]], sem_w)
                drain(vtw.at[wi], sc_hbm.at[p1w.at[wi]], sem_w)
                drain(q0w.at[wi], ss_hbm.at[p0w.at[wi]], sem_w)
                drain(q1w.at[wi], ss_hbm.at[p1w.at[wi]], sem_w)
            p0w[wi, :] = p0v
            p1w[wi, :] = p1v
            vtw[wi, :] = tok + iota
            q0w[wi, :] = pqf_v[wi, 0]
            q1w[wi, :] = pqf_v[wi, 1]
            pltpu.async_copy(vtw.at[wi], sc_hbm.at[p0w.at[wi]], sem_w)
            pltpu.async_copy(vtw.at[wi], sc_hbm.at[p1w.at[wi]], sem_w)
            pltpu.async_copy(q0w.at[wi], ss_hbm.at[p0w.at[wi]], sem_w)
            pltpu.async_copy(q1w.at[wi], ss_hbm.at[p1w.at[wi]], sem_w)
            @pl.when(c >= 1)
            def _drain_s1():
                drain(buf1, xg_hbm.at[d10, pl.ds(HDIM, HDIM)], sem_s1)
                drain(buf1, xg_hbm.at[d11, pl.ds(HDIM, HDIM)], sem_s1)
            load(tok, 1, buf1, sem_l1)
            drain_load(tok, 1, buf1, sem_l1)
            d10[...] = p0v
            d11[...] = p1v
            pltpu.async_copy(buf1, xg_hbm.at[d10, pl.ds(HDIM, HDIM)], sem_s1)
            pltpu.async_copy(buf1, xg_hbm.at[d11, pl.ds(HDIM, HDIM)], sem_s1)
            drain(buf0, xg_hbm.at[d00, pl.ds(0, HDIM)], sem_s0)
            drain(buf0, xg_hbm.at[d01, pl.ds(0, HDIM)], sem_s0)
            @pl.when(c < NCHUNK - 1)
            def _next_load():
                load(tok + CHUNK, 0, buf0, sem_l0)

    drain(buf1, xg_hbm.at[d10, pl.ds(HDIM, HDIM)], sem_s1)
    drain(buf1, xg_hbm.at[d11, pl.ds(HDIM, HDIM)], sem_s1)
    for wi, sem_w in ((0, sem_w0), (1, sem_w1)):
        drain(vtw.at[wi], sc_hbm.at[p0w.at[wi]], sem_w)
        drain(vtw.at[wi], sc_hbm.at[p1w.at[wi]], sem_w)
        drain(q0w.at[wi], ss_hbm.at[p0w.at[wi]], sem_w)
        drain(q1w.at[wi], ss_hbm.at[p1w.at[wi]], sem_w)


@functools.cache
def _make_dispatch():
    return functools.partial(
        pl.kernel,
        out_type=[
            jax.ShapeDtypeStruct((2 * TOKENS, DIM), jnp.float32),
            jax.ShapeDtypeStruct((2 * TOKENS,), jnp.int32),
            jax.ShapeDtypeStruct((2 * TOKENS,), jnp.float32),
        ],
        mesh=plsc.VectorSubcoreMesh(core_axis_name="c", subcore_axis_name="s",
                                    num_cores=2, num_subcores=16),
        scratch_types=[
            pltpu.VMEM((2, 2, 16), jnp.int32),
            pltpu.VMEM((2, 2, 16), jnp.float32),
            pltpu.VMEM((CHUNK, HDIM), jnp.float32),
            pltpu.VMEM((CHUNK, HDIM), jnp.float32),
            pltpu.VMEM((16,), jnp.int32),
            pltpu.VMEM((16,), jnp.int32),
            pltpu.VMEM((16,), jnp.int32),
            pltpu.VMEM((16,), jnp.int32),
            pltpu.VMEM((2, 16), jnp.int32),
            pltpu.VMEM((2, 16), jnp.int32),
            pltpu.VMEM((2, 16), jnp.int32),
            pltpu.VMEM((2, 16), jnp.float32),
            pltpu.VMEM((2, 16), jnp.float32),
            pltpu.SemaphoreType.DMA,
            pltpu.SemaphoreType.DMA,
            pltpu.SemaphoreType.DMA,
            pltpu.SemaphoreType.DMA,
            pltpu.SemaphoreType.DMA,
            pltpu.SemaphoreType.DMA,
            pltpu.SemaphoreType.DMA,
            pltpu.SemaphoreType.DMA,
        ],
    )(_dispatch_body)


def kernel(x, W):
    p, counts = _router(x, W)
    pqi = p[:2].reshape(2, TOKENS // CHUNK, CHUNK).transpose(1, 0, 2)
    pqf = lax.bitcast_convert_type(
        p[2:4], jnp.float32).reshape(2, TOKENS // CHUNK, CHUNK).transpose(1, 0, 2)
    x_gathered, scatter_indices, scores_sorted = _make_dispatch()(x, pqi, pqf)
    num_tokens_per_expert = counts[0, :NUM_EXPERTS]
    return (x_gathered, num_tokens_per_expert, scatter_indices, scores_sorted)

# --- scband reference (transcript-rebuilt; emitter-appended) ---
"""Pipeline reference for scband-router-3530463117616 (READ-ONLY COPY).

The authoritative reference and input builder live on the scoring server;
editing this copy changes nothing except your own understanding.
"""

import jax, jax.numpy as jnp
import numpy as np

DIM = 4096
NUM_EXPERTS = 64
TOP_K = 2
TOKENS = 8192


def setup_inputs(seed: int = 0) -> dict:
    key = jax.random.key(seed)
    k1, k2 = jax.random.split(key)
    x = jax.random.normal(k1, (TOKENS, DIM), dtype=jnp.float32)
    W = jax.random.normal(k2, (NUM_EXPERTS, DIM), dtype=jnp.float32) * 0.02
    return {"x": x, "W": W}


def reference(x, W):
    # Router linear (no bias): scores over experts
    expert_scores = x @ W.T  # (TOKENS, NUM_EXPERTS)
    # Top-k expert selection per token
    top_scores, selected_experts_indices = jax.lax.top_k(expert_scores, TOP_K)
    # Softmax over the selected top-k scores in float32, cast back
    top_scores = jax.nn.softmax(top_scores.astype(jnp.float32), axis=-1).astype(x.dtype)
    # Tokens per expert (torch.histc with unit bins over [0, E] == bincount); histc returns float
    flat_expert_indices = selected_experts_indices.reshape(-1)
    num_tokens_per_expert = jnp.bincount(flat_expert_indices, length=NUM_EXPERTS).astype(jnp.float32)
    # Stable argsort groups tokens by destination expert
    sorted_indices = jnp.argsort(flat_expert_indices, stable=True)
    scatter_indices = sorted_indices // TOP_K
    # Gather token data into expert-centric order
    x_gathered = x[scatter_indices]
    scores_sorted = top_scores.reshape(-1)[sorted_indices]
    return (x_gathered, num_tokens_per_expert, scatter_indices, scores_sorted)

if __name__ == "__main__":
    import jax
    _d = setup_inputs()
    print(jax.jit(kernel)(*tuple(_d.values())))

</pallas_src>

<mosaic_0001>
#map = affine_map<(d0, d1) -> (0, 0)>
#map1 = affine_map<(d0, d1) -> (0, 0, 0)>
#map2 = affine_map<(d0, d1) -> (0)>
module attributes {stable_mosaic.version = 14 : i64} {
  func.func @_dispatch_body(%arg0: i32, %arg1: i32, %arg2: memref<8192x4096xf32, #tpu.memory_space<hbm>>, %arg3: memref<512x2x16xi32, #tpu.memory_space<hbm>>, %arg4: memref<512x2x16xf32, #tpu.memory_space<hbm>>, %arg5: memref<16384x4096xf32, #tpu.memory_space<hbm>>, %arg6: memref<16384xi32, #tpu.memory_space<hbm>>, %arg7: memref<16384xf32, #tpu.memory_space<hbm>>, %arg8: memref<2x2x16xi32, #tpu.memory_space<vmem>>, %arg9: memref<2x2x16xf32, #tpu.memory_space<vmem>>, %arg10: memref<16x2048xf32, #tpu.memory_space<vmem>>, %arg11: memref<16x2048xf32, #tpu.memory_space<vmem>>, %arg12: memref<16xi32, #tpu.memory_space<vmem>>, %arg13: memref<16xi32, #tpu.memory_space<vmem>>, %arg14: memref<16xi32, #tpu.memory_space<vmem>>, %arg15: memref<16xi32, #tpu.memory_space<vmem>>, %arg16: memref<2x16xi32, #tpu.memory_space<vmem>>, %arg17: memref<2x16xi32, #tpu.memory_space<vmem>>, %arg18: memref<2x16xi32, #tpu.memory_space<vmem>>, %arg19: memref<2x16xf32, #tpu.memory_space<vmem>>, %arg20: memref<2x16xf32, #tpu.memory_space<vmem>>, %arg21: memref<!tpu.dma_semaphore, #tpu.memory_space<semaphore_mem>>, %arg22: memref<!tpu.dma_semaphore, #tpu.memory_space<semaphore_mem>>, %arg23: memref<!tpu.dma_semaphore, #tpu.memory_space<semaphore_mem>>, %arg24: memref<!tpu.dma_semaphore, #tpu.memory_space<semaphore_mem>>, %arg25: memref<!tpu.dma_semaphore, #tpu.memory_space<semaphore_mem>>, %arg26: memref<!tpu.dma_semaphore, #tpu.memory_space<semaphore_mem>>, %arg27: memref<!tpu.dma_semaphore, #tpu.memory_space<semaphore_mem>>, %arg28: memref<!tpu.dma_semaphore, #tpu.memory_space<semaphore_mem>>) attributes {dimension_semantics = [#tpu.dimension_semantics<core_parallel>, #tpu.dimension_semantics<subcore_parallel>], iteration_bounds = array<i64: 2, 16>, scalar_prefetch = 0 : i64, scratch_operands = 21 : i64, tpu.core_type = #tpu.core_type<sc_vector_subcore>, window_params = [{transform_indices = #map}, {transform_indices = #map1}, {transform_indices = #map1}, {transform_indices = #map}, {transform_indices = #map2}, {transform_indices = #map2}]} {
    %mul3A = arith.constant 2 : i32
    %mul3A_0 = arith.muli %arg1, %mul3A : i32
    %add3A = arith.addi %mul3A_0, %arg0 : i32
    %mul3A_1 = arith.constant 256 : i32
    %mul3A_2 = arith.muli %add3A, %mul3A_1 : i32
    %iota3A = tpu.iota {dimensions = array<i32: 0>} : vector<16xi32>
    %dma_start3A = arith.constant 0 : i32
    %dma_start3A_3 = tpu.memref_slice %arg2[%mul3A_2, %dma_start3A] : memref<8192x4096xf32, #tpu.memory_space<hbm>> -> memref<16x2048xf32, #tpu.memory_space<hbm>>
    %dma_start3A_4 = arith.constant 0 : i32
    %dma_start3A_5 = tpu.memref_slice %arg2[%mul3A_2, %dma_start3A_4] : memref<8192x4096xf32, #tpu.memory_space<hbm>> -> memref<16x2048xf32, #tpu.memory_space<hbm>>
    tpu.enqueue_dma source(%dma_start3A_5 : memref<16x2048xf32, #tpu.memory_space<hbm>>) target(%arg10 : memref<16x2048xf32, #tpu.memory_space<vmem>>) target_semaphore(%arg21 : memref<!tpu.dma_semaphore, #tpu.memory_space<semaphore_mem>>)
    %mul3A_6 = arith.constant 16 : i32
    %mul3A_7 = arith.muli %add3A, %mul3A_6 : i32
    %add3A_8 = arith.constant 0 : i32
    %add3A_9 = arith.addi %mul3A_7, %add3A_8 : i32
    %dma_start3A_10 = arith.constant 0 : i32
    %dma_start3A_11 = arith.constant 0 : i32
    %dma_start3A_12 = arith.constant 0 : i32
    %dma_start3A_13 = tpu.memref_slice %arg8[%dma_start3A_10, %dma_start3A_11, %dma_start3A_12] : memref<2x2x16xi32, #tpu.memory_space<vmem>> -> memref<1x2x16xi32, #tpu.memory_space<vmem>>
    %dma_start3A_14 = tpu.memref_squeeze %dma_start3A_13 : memref<1x2x16xi32, #tpu.memory_space<vmem>> -> memref<2x16xi32, #tpu.memory_space<vmem>>
    %dma_start3A_15 = arith.constant 0 : i32
    %dma_start3A_16 = arith.constant 0 : i32
    %dma_start3A_17 = tpu.memref_slice %arg3[%add3A_9, %dma_start3A_15, %dma_start3A_16] : memref<512x2x16xi32, #tpu.memory_space<hbm>> -> memref<1x2x16xi32, #tpu.memory_space<hbm>>
    %dma_start3A_18 = tpu.memref_squeeze %dma_start3A_17 : memref<1x2x16xi32, #tpu.memory_space<hbm>> -> memref<2x16xi32, #tpu.memory_space<hbm>>
    %dma_start3A_19 = arith.constant 0 : i32
    %dma_start3A_20 = arith.constant 0 : i32
    %dma_start3A_21 = tpu.memref_slice %arg8[%dma_start3A_10, %dma_start3A_19, %dma_start3A_20] : memref<2x2x16xi32, #tpu.memory_space<vmem>> -> memref<1x2x16xi32, #tpu.memory_space<vmem>>
    %dma_start3A_22 = tpu.memref_squeeze %dma_start3A_21 : memref<1x2x16xi32, #tpu.memory_space<vmem>> -> memref<2x16xi32, #tpu.memory_space<vmem>>
    %dma_start3A_23 = arith.constant 0 : i32
    %dma_start3A_24 = arith.constant 0 : i32
    %dma_start3A_25 = tpu.memref_slice %arg3[%add3A_9, %dma_start3A_23, %dma_start3A_24] : memref<512x2x16xi32, #tpu.memory_space<hbm>> -> memref<1x2x16xi32, #tpu.memory_space<hbm>>
    %dma_start3A_26 = tpu.memref_squeeze %dma_start3A_25 : memref<1x2x16xi32, #tpu.memory_space<hbm>> -> memref<2x16xi32, #tpu.memory_space<hbm>>
    tpu.enqueue_dma source(%dma_start3A_26 : memref<2x16xi32, #tpu.memory_space<hbm>>) target(%dma_start3A_22 : memref<2x16xi32, #tpu.memory_space<vmem>>) target_semaphore(%arg27 : memref<!tpu.dma_semaphore, #tpu.memory_space<semaphore_mem>>)
    %mul3A_27 = arith.constant 16 : i32
    %mul3A_28 = arith.muli %add3A, %mul3A_27 : i32
    %add3A_29 = arith.constant 0 : i32
    %add3A_30 = arith.addi %mul3A_28, %add3A_29 : i32
    %dma_start3A_31 = arith.constant 0 : i32
    %dma_start3A_32 = arith.constant 0 : i32
    %dma_start3A_33 = arith.constant 0 : i32
    %dma_start3A_34 = tpu.memref_slice %arg9[%dma_start3A_31, %dma_start3A_32, %dma_start3A_33] : memref<2x2x16xf32, #tpu.memory_space<vmem>> -> memref<1x2x16xf32, #tpu.memory_space<vmem>>
    %dma_start3A_35 = tpu.memref_squeeze %dma_start3A_34 : memref<1x2x16xf32, #tpu.memory_space<vmem>> -> memref<2x16xf32, #tpu.memory_space<vmem>>
    %dma_start3A_36 = arith.constant 0 : i32
    %dma_start3A_37 = arith.constant 0 : i32
    %dma_start3A_38 = tpu.memref_slice %arg4[%add3A_30, %dma_start3A_36, %dma_start3A_37] : memref<512x2x16xf32, #tpu.memory_space<hbm>> -> memref<1x2x16xf32, #tpu.memory_space<hbm>>
    %dma_start3A_39 = tpu.memref_squeeze %dma_start3A_38 : memref<1x2x16xf32, #tpu.memory_space<hbm>> -> memref<2x16xf32, #tpu.memory_space<hbm>>
    %dma_start3A_40 = arith.constant 0 : i32
    %dma_start3A_41 = arith.constant 0 : i32
    %dma_start3A_42 = tpu.memref_slice %arg9[%dma_start3A_31, %dma_start3A_40, %dma_start3A_41] : memref<2x2x16xf32, #tpu.memory_space<vmem>> -> memref<1x2x16xf32, #tpu.memory_space<vmem>>
    %dma_start3A_43 = tpu.memref_squeeze %dma_start3A_42 : memref<1x2x16xf32, #tpu.memory_space<vmem>> -> memref<2x16xf32, #tpu.memory_space<vmem>>
    %dma_start3A_44 = arith.constant 0 : i32
    %dma_start3A_45 = arith.constant 0 : i32
    %dma_start3A_46 = tpu.memref_slice %arg4[%add3A_30, %dma_start3A_44, %dma_start3A_45] : memref<512x2x16xf32, #tpu.memory_space<hbm>> -> memref<1x2x16xf32, #tpu.memory_space<hbm>>
    %dma_start3A_47 = tpu.memref_squeeze %dma_start3A_46 : memref<1x2x16xf32, #tpu.memory_space<hbm>> -> memref<2x16xf32, #tpu.memory_space<hbm>>
    tpu.enqueue_dma source(%dma_start3A_47 : memref<2x16xf32, #tpu.memory_space<hbm>>) target(%dma_start3A_43 : memref<2x16xf32, #tpu.memory_space<vmem>>) target_semaphore(%arg27 : memref<!tpu.dma_semaphore, #tpu.memory_space<semaphore_mem>>)
    %scan3A = arith.constant 0 : i32
    %scan3A_48 = arith.constant 8 : i32
    %scan3A_49 = arith.addi %scan3A, %scan3A_48 : i32
    %scan3A_50 = arith.constant 1 : i32
    scf.for %scan3A_137 = %scan3A to %scan3A_49 step %scan3A_50  : i32 {
      %mul3A_138 = arith.constant 2 : i32
      %mul3A_139 = arith.muli %scan3A_137, %mul3A_138 : i32
      %add3A_140 = arith.constant 0 : i32
      %add3A_141 = arith.addi %add3A_140, %mul3A_139 : i32
      %add3A_142 = arith.constant 0 : i32
      %add3A_143 = arith.addi %add3A_141, %add3A_142 : i32
      %mul3A_144 = arith.constant 16 : i32
      %mul3A_145 = arith.muli %add3A_143, %mul3A_144 : i32
      %add3A_146 = arith.addi %mul3A_2, %mul3A_145 : i32
      %mul3A_147 = arith.constant 16 : i32
      %mul3A_148 = arith.muli %add3A, %mul3A_147 : i32
      %add3A_149 = arith.addi %mul3A_148, %add3A_143 : i32
      %dma_wait3A_150 = arith.constant 0 : i32
      %dma_wait3A_151 = arith.constant 0 : i32
      %dma_wait3A_152 = arith.constant 0 : i32
      %dma_wait3A_153 = tpu.memref_slice %arg8[%dma_wait3A_150, %dma_wait3A_151, %dma_wait3A_152] : memref<2x2x16xi32, #tpu.memory_space<vmem>> -> memref<1x2x16xi32, #tpu.memory_space<vmem>>
      %dma_wait3A_154 = tpu.memref_squeeze %dma_wait3A_153 : memref<1x2x16xi32, #tpu.memory_space<vmem>> -> memref<2x16xi32, #tpu.memory_space<vmem>>
      %dma_wait3A_155 = arith.constant 0 : i32
      %dma_wait3A_156 = arith.constant 0 : i32
      %dma_wait3A_157 = tpu.memref_slice %arg3[%add3A_149, %dma_wait3A_155, %dma_wait3A_156] : memref<512x2x16xi32, #tpu.memory_space<hbm>> -> memref<1x2x16xi32, #tpu.memory_space<hbm>>
      %dma_wait3A_158 = tpu.memref_squeeze %dma_wait3A_157 : memref<1x2x16xi32, #tpu.memory_space<hbm>> -> memref<2x16xi32, #tpu.memory_space<hbm>>
      %dma_wait3A_159 = arith.constant 0 : i32
      %dma_wait3A_160 = arith.constant 0 : i32
      %dma_wait3A_161 = tpu.memref_slice %arg8[%dma_wait3A_150, %dma_wait3A_159, %dma_wait3A_160] : memref<2x2x16xi32, #tpu.memory_space<vmem>> -> memref<1x2x16xi32, #tpu.memory_space<vmem>>
      %dma_wait3A_162 = tpu.memref_squeeze %dma_wait3A_161 : memref<1x2x16xi32, #tpu.memory_space<vmem>> -> memref<2x16xi32, #tpu.memory_space<vmem>>
      %dma_wait3A_163 = arith.constant 0 : i32
      %dma_wait3A_164 = arith.constant 0 : i32
      %dma_wait3A_165 = tpu.memref_slice %arg3[%add3A_149, %dma_wait3A_163, %dma_wait3A_164] : memref<512x2x16xi32, #tpu.memory_space<hbm>> -> memref<1x2x16xi32, #tpu.memory_space<hbm>>
      %dma_wait3A_166 = tpu.memref_squeeze %dma_wait3A_165 : memref<1x2x16xi32, #tpu.memory_space<hbm>> -> memref<2x16xi32, #tpu.memory_space<hbm>>
      tpu.wait_dma2 semaphore(%arg27 : memref<!tpu.dma_semaphore, #tpu.memory_space<semaphore_mem>>) src(%dma_wait3A_166 : memref<2x16xi32, #tpu.memory_space<hbm>>) dst(%dma_wait3A_162 : memref<2x16xi32, #tpu.memory_space<vmem>>)
      %mul3A_167 = arith.constant 16 : i32
      %mul3A_168 = arith.muli %add3A, %mul3A_167 : i32
      %add3A_169 = arith.addi %mul3A_168, %add3A_143 : i32
      %dma_wait3A_170 = arith.constant 0 : i32
      %dma_wait3A_171 = arith.constant 0 : i32
      %dma_wait3A_172 = arith.constant 0 : i32
      %dma_wait3A_173 = tpu.memref_slice %arg9[%dma_wait3A_170, %dma_wait3A_171, %dma_wait3A_172] : memref<2x2x16xf32, #tpu.memory_space<vmem>> -> memref<1x2x16xf32, #tpu.memory_space<vmem>>
      %dma_wait3A_174 = tpu.memref_squeeze %dma_wait3A_173 : memref<1x2x16xf32, #tpu.memory_space<vmem>> -> memref<2x16xf32, #tpu.memory_space<vmem>>
      %dma_wait3A_175 = arith.constant 0 : i32
      %dma_wait3A_176 = arith.constant 0 : i32
      %dma_wait3A_177 = tpu.memref_slice %arg4[%add3A_169, %dma_wait3A_175, %dma_wait3A_176] : memref<512x2x16xf32, #tpu.memory_space<hbm>> -> memref<1x2x16xf32, #tpu.memory_space<hbm>>
      %dma_wait3A_178 = tpu.memref_squeeze %dma_wait3A_177 : memref<1x2x16xf32, #tpu.memory_space<hbm>> -> memref<2x16xf32, #tpu.memory_space<hbm>>
      %dma_wait3A_179 = arith.constant 0 : i32
      %dma_wait3A_180 = arith.constant 0 : i32
      %dma_wait3A_181 = tpu.memref_slice %arg9[%dma_wait3A_170, %dma_wait3A_179, %dma_wait3A_180] : memref<2x2x16xf32, #tpu.memory_space<vmem>> -> memref<1x2x16xf32, #tpu.memory_space<vmem>>
      %dma_wait3A_182 = tpu.memref_squeeze %dma_wait3A_181 : memref<1x2x16xf32, #tpu.memory_space<vmem>> -> memref<2x16xf32, #tpu.memory_space<vmem>>
      %dma_wait3A_183 = arith.constant 0 : i32
      %dma_wait3A_184 = arith.constant 0 : i32
      %dma_wait3A_185 = tpu.memref_slice %arg4[%add3A_169, %dma_wait3A_183, %dma_wait3A_184] : memref<512x2x16xf32, #tpu.memory_space<hbm>> -> memref<1x2x16xf32, #tpu.memory_space<hbm>>
      %dma_wait3A_186 = tpu.memref_squeeze %dma_wait3A_185 : memref<1x2x16xf32, #tpu.memory_space<hbm>> -> memref<2x16xf32, #tpu.memory_space<hbm>>
      tpu.wait_dma2 semaphore(%arg27 : memref<!tpu.dma_semaphore, #tpu.memory_space<semaphore_mem>>) src(%dma_wait3A_186 : memref<2x16xf32, #tpu.memory_space<hbm>>) dst(%dma_wait3A_182 : memref<2x16xf32, #tpu.memory_space<vmem>>)
      %lt3A = arith.constant 15 : i32
      %lt3A_187 = arith.cmpi slt, %add3A_143, %lt3A : i32
      %convert_element_type3A = arith.extui %lt3A_187 : i1 to i32
      %cond3A = arith.constant 0 : i32
      %cond3A_188 = arith.cmpi ne, %convert_element_type3A, %cond3A : i32
      scf.if %cond3A_188 {
        %add3A_558 = arith.constant 1 : i32
        %add3A_559 = arith.addi %add3A_143, %add3A_558 : i32
        %mul3A_560 = arith.constant 16 : i32
        %mul3A_561 = arith.muli %add3A, %mul3A_560 : i32
        %add3A_562 = arith.addi %mul3A_561, %add3A_559 : i32
        %dma_start3A_563 = arith.constant 1 : i32
        %dma_start3A_564 = arith.constant 0 : i32
        %dma_start3A_565 = arith.constant 0 : i32
        %dma_start3A_566 = tpu.memref_slice %arg8[%dma_start3A_563, %dma_start3A_564, %dma_start3A_565] : memref<2x2x16xi32, #tpu.memory_space<vmem>> -> memref<1x2x16xi32, #tpu.memory_space<vmem>>
        %dma_start3A_567 = tpu.memref_squeeze %dma_start3A_566 : memref<1x2x16xi32, #tpu.memory_space<vmem>> -> memref<2x16xi32, #tpu.memory_space<vmem>>
        %dma_start3A_568 = arith.constant 0 : i32
        %dma_start3A_569 = arith.constant 0 : i32
        %dma_start3A_570 = tpu.memref_slice %arg3[%add3A_562, %dma_start3A_568, %dma_start3A_569] : memref<512x2x16xi32, #tpu.memory_space<hbm>> -> memref<1x2x16xi32, #tpu.memory_space<hbm>>
        %dma_start3A_571 = tpu.memref_squeeze %dma_start3A_570 : memref<1x2x16xi32, #tpu.memory_space<hbm>> -> memref<2x16xi32, #tpu.memory_space<hbm>>
        %dma_start3A_572 = arith.constant 0 : i32
        %dma_start3A_573 = arith.constant 0 : i32
        %dma_start3A_574 = tpu.memref_slice %arg8[%dma_start3A_563, %dma_start3A_572, %dma_start3A_573] : memref<2x2x16xi32, #tpu.memory_space<vmem>> -> memref<1x2x16xi32, #tpu.memory_space<vmem>>
        %dma_start3A_575 = tpu.memref_squeeze %dma_start3A_574 : memref<1x2x16xi32, #tpu.memory_space<vmem>> -> memref<2x16xi32, #tpu.memory_space<vmem>>
        %dma_start3A_576 = arith.constant 0 : i32
        %dma_start3A_577 = arith.constant 0 : i32
        %dma_start3A_578 = tpu.memref_slice %arg3[%add3A_562, %dma_start3A_576, %dma_start3A_577] : memref<512x2x16xi32, #tpu.memory_space<hbm>> -> memref<1x2x16xi32, #tpu.memory_space<hbm>>
        %dma_start3A_579 = tpu.memref_squeeze %dma_start3A_578 : memref<1x2x16xi32, #tpu.memory_space<hbm>> -> memref<2x16xi32, #tpu.memory_space<hbm>>
        tpu.enqueue_dma source(%dma_start3A_579 : memref<2x16xi32, #tpu.memory_space<hbm>>) target(%dma_start3A_575 : memref<2x16xi32, #tpu.memory_space<vmem>>) target_semaphore(%arg28 : memref<!tpu.dma_semaphore, #tpu.memory_space<semaphore_mem>>)
        %mul3A_580 = arith.constant 16 : i32
        %mul3A_581 = arith.muli %add3A, %mul3A_580 : i32
        %add3A_582 = arith.addi %mul3A_581, %add3A_559 : i32
        %dma_start3A_583 = arith.constant 1 : i32
        %dma_start3A_584 = arith.constant 0 : i32
        %dma_start3A_585 = arith.constant 0 : i32
        %dma_start3A_586 = tpu.memref_slice %arg9[%dma_start3A_583, %dma_start3A_584, %dma_start3A_585] : memref<2x2x16xf32, #tpu.memory_space<vmem>> -> memref<1x2x16xf32, #tpu.memory_space<vmem>>
        %dma_start3A_587 = tpu.memref_squeeze %dma_start3A_586 : memref<1x2x16xf32, #tpu.memory_space<vmem>> -> memref<2x16xf32, #tpu.memory_space<vmem>>
        %dma_start3A_588 = arith.constant 0 : i32
        %dma_start3A_589 = arith.constant 0 : i32
        %dma_start3A_590 = tpu.memref_slice %arg4[%add3A_582, %dma_start3A_588, %dma_start3A_589] : memref<512x2x16xf32, #tpu.memory_space<hbm>> -> memref<1x2x16xf32, #tpu.memory_space<hbm>>
        %dma_start3A_591 = tpu.memref_squeeze %dma_start3A_590 : memref<1x2x16xf32, #tpu.memory_space<hbm>> -> memref<2x16xf32, #tpu.memory_space<hbm>>
        %dma_start3A_592 = arith.constant 0 : i32
        %dma_start3A_593 = arith.constant 0 : i32
        %dma_start3A_594 = tpu.memref_slice %arg9[%dma_start3A_583, %dma_start3A_592, %dma_start3A_593] : memref<2x2x16xf32, #tpu.memory_space<vmem>> -> memref<1x2x16xf32, #tpu.memory_space<vmem>>
        %dma_start3A_595 = tpu.memref_squeeze %dma_start3A_594 : memref<1x2x16xf32, #tpu.memory_space<vmem>> -> memref<2x16xf32, #tpu.memory_space<vmem>>
        %dma_start3A_596 = arith.constant 0 : i32
        %dma_start3A_597 = arith.constant 0 : i32
        %dma_start3A_598 = tpu.memref_slice %arg4[%add3A_582, %dma_start3A_596, %dma_start3A_597] : memref<512x2x16xf32, #tpu.memory_space<hbm>> -> memref<1x2x16xf32, #tpu.memory_space<hbm>>
        %dma_start3A_599 = tpu.memref_squeeze %dma_start3A_598 : memref<1x2x16xf32, #tpu.memory_space<hbm>> -> memref<2x16xf32, #tpu.memory_space<hbm>>
        tpu.enqueue_dma source(%dma_start3A_599 : memref<2x16xf32, #tpu.memory_space<hbm>>) target(%dma_start3A_595 : memref<2x16xf32, #tpu.memory_space<vmem>>) target_semaphore(%arg28 : memref<!tpu.dma_semaphore, #tpu.memory_space<semaphore_mem>>)
      } else {
      }
      %get3A = arith.constant 0 : i32
      %get3A_189 = arith.constant 0 : i32
      %get3A_190 = arith.index_cast %get3A : i32 to index
      %get3A_191 = arith.index_cast %get3A_189 : i32 to index
      %get3A_192 = arith.constant 0 : index
      %get3A_193 = tpu.vector_load %arg8[%get3A_190, %get3A_191, %get3A_192] {strides = array<i32>} : memref<2x2x16xi32, #tpu.memory_space<vmem>>, vector<1x1x16xi32>,
      %get3A_194 = vector.shape_cast %get3A_193 : vector<1x1x16xi32> to vector<16xi32>
      %get3A_195 = arith.constant 0 : i32
      %get3A_196 = arith.constant 1 : i32
      %get3A_197 = arith.index_cast %get3A_195 : i32 to index
      %get3A_198 = arith.index_cast %get3A_196 : i32 to index
      %get3A_199 = arith.constant 0 : index
      %get3A_200 = tpu.vector_load %arg8[%get3A_197, %get3A_198, %get3A_199] {strides = array<i32>} : memref<2x2x16xi32, #tpu.memory_space<vmem>>, vector<1x1x16xi32>,
      %get3A_201 = vector.shape_cast %get3A_200 : vector<1x1x16xi32> to vector<16xi32>
      %dma_wait3A_202 = arith.constant 0 : i32
      %dma_wait3A_203 = tpu.memref_slice %arg2[%add3A_146, %dma_wait3A_202] : memref<8192x4096xf32, #tpu.memory_space<hbm>> -> memref<16x2048xf32, #tpu.memory_space<hbm>>
      %dma_wait3A_204 = arith.constant 0 : i32
      %dma_wait3A_205 = tpu.memref_slice %arg2[%add3A_146, %dma_wait3A_204] : memref<8192x4096xf32, #tpu.memory_space<hbm>> -> memref<16x2048xf32, #tpu.memory_space<hbm>>
      tpu.wait_dma2 semaphore(%arg21 : memref<!tpu.dma_semaphore, #tpu.memory_space<semaphore_mem>>) src(%dma_wait3A_205 : memref<16x2048xf32, #tpu.memory_space<hbm>>) dst(%arg10 : memref<16x2048xf32, #tpu.memory_space<vmem>>)
      %swap3A = arith.constant 0 : index
      %swap3A_206 = tpu.vector_load %arg12[%swap3A] {strides = array<i32>} : memref<16xi32, #tpu.memory_space<vmem>>, vector<16xi32>,
      %swap3A_207 = vector.shape_cast %swap3A_206 : vector<16xi32> to vector<16xi32>
      %swap3A_208 = vector.shape_cast %get3A_194 : vector<16xi32> to vector<16xi32>
      tpu.vector_store %arg12[%swap3A], %swap3A_208 {strides = array<i32>} : memref<16xi32, #tpu.memory_space<vmem>>, vector<16xi32>,
      %swap3A_209 = arith.constant 0 : index
      %swap3A_210 = tpu.vector_load %arg13[%swap3A_209] {strides = array<i32>} : memref<16xi32, #tpu.memory_space<vmem>>, vector<16xi32>,
      %swap3A_211 = vector.shape_cast %swap3A_210 : vector<16xi32> to vector<16xi32>
      %swap3A_212 = vector.shape_cast %get3A_201 : vector<16xi32> to vector<16xi32>
      tpu.vector_store %arg13[%swap3A_209], %swap3A_212 {strides = array<i32>} : memref<16xi32, #tpu.memory_space<vmem>>, vector<16xi32>,
      %dma_start3A_213 = arith.constant 0 : i32
      %dma_start3A_214 = arith.constant 0 : i32
      %dma_start3A_215 = tpu.memref_slice %arg5[%dma_start3A_213, %dma_start3A_214] : memref<16384x4096xf32, #tpu.memory_space<hbm>> -> memref<16384x2048xf32, #tpu.memory_space<hbm>>
      tpu.enqueue_indirect_dma source(%arg10 : memref<16x2048xf32, #tpu.memory_space<vmem>>) target(%dma_start3A_215 : memref<16384x2048xf32, #tpu.memory_space<hbm>>) offsets(%arg12 : memref<16xi32, #tpu.memory_space<vmem>>) semaphore(%arg23 : memref<!tpu.dma_semaphore, #tpu.memory_space<semaphore_mem>>)
      %dma_start3A_216 = arith.constant 0 : i32
      %dma_start3A_217 = arith.constant 0 : i32
      %dma_start3A_218 = tpu.memref_slice %arg5[%dma_start3A_216, %dma_start3A_217] : memref<16384x4096xf32, #tpu.memory_space<hbm>> -> memref<16384x2048xf32, #tpu.memory_space<hbm>>
      tpu.enqueue_indirect_dma source(%arg10 : memref<16x2048xf32, #tpu.memory_space<vmem>>) target(%dma_start3A_218 : memref<16384x2048xf32, #tpu.memory_space<hbm>>) offsets(%arg13 : memref<16xi32, #tpu.memory_space<vmem>>) semaphore(%arg23 : memref<!tpu.dma_semaphore, #tpu.memory_space<semaphore_mem>>)
      %ge3A = arith.constant 2 : i32
      %ge3A_219 = arith.cmpi sge, %add3A_143, %ge3A : i32
      %convert_element_type3A_220 = arith.extui %ge3A_219 : i1 to i32
      %cond3A_221 = arith.constant 0 : i32
      %cond3A_222 = arith.cmpi ne, %convert_element_type3A_220, %cond3A_221 : i32
      scf.if %cond3A_222 {
        %dma_wait3A_558 = arith.constant 0 : i32
        %dma_wait3A_559 = arith.constant 0 : i32
        %dma_wait3A_560 = arith.constant 0 : i32
        %dma_wait3A_561 = tpu.memref_slice %arg18[%dma_wait3A_558, %dma_wait3A_560] : memref<2x16xi32, #tpu.memory_space<vmem>> -> memref<1x16xi32, #tpu.memory_space<vmem>>
        %dma_wait3A_562 = tpu.memref_squeeze %dma_wait3A_561 : memref<1x16xi32, #tpu.memory_space<vmem>> -> memref<16xi32, #tpu.memory_space<vmem>>
        %dma_wait3A_563 = arith.constant 0 : i32
        %dma_wait3A_564 = tpu.memref_slice %arg16[%dma_wait3A_559, %dma_wait3A_563] : memref<2x16xi32, #tpu.memory_space<vmem>> -> memref<1x16xi32, #tpu.memory_space<vmem>>
        %dma_wait3A_565 = tpu.memref_squeeze %dma_wait3A_564 : memref<1x16xi32, #tpu.memory_space<vmem>> -> memref<16xi32, #tpu.memory_space<vmem>>
        %dma_wait3A_566 = arith.constant 0 : i32
        %dma_wait3A_567 = tpu.memref_slice %arg6[%dma_wait3A_566] : memref<16384xi32, #tpu.memory_space<hbm>> -> memref<16384xi32, #tpu.memory_space<hbm>>
        tpu.wait_indirect_dma semaphore(%arg25 : memref<!tpu.dma_semaphore, #tpu.memory_space<semaphore_mem>>) src(%dma_wait3A_562 : memref<16xi32, #tpu.memory_space<vmem>>) dst(%dma_wait3A_567 : memref<16384xi32, #tpu.memory_space<hbm>>)
        %dma_wait3A_568 = arith.constant 0 : i32
        %dma_wait3A_569 = arith.constant 0 : i32
        %dma_wait3A_570 = arith.constant 0 : i32
        %dma_wait3A_571 = tpu.memref_slice %arg18[%dma_wait3A_568, %dma_wait3A_570] : memref<2x16xi32, #tpu.memory_space<vmem>> -> memref<1x16xi32, #tpu.memory_space<vmem>>
        %dma_wait3A_572 = tpu.memref_squeeze %dma_wait3A_571 : memref<1x16xi32, #tpu.memory_space<vmem>> -> memref<16xi32, #tpu.memory_space<vmem>>
        %dma_wait3A_573 = arith.constant 0 : i32
        %dma_wait3A_574 = tpu.memref_slice %arg17[%dma_wait3A_569, %dma_wait3A_573] : memref<2x16xi32, #tpu.memory_space<vmem>> -> memref<1x16xi32, #tpu.memory_space<vmem>>
        %dma_wait3A_575 = tpu.memref_squeeze %dma_wait3A_574 : memref<1x16xi32, #tpu.memory_space<vmem>> -> memref<16xi32, #tpu.memory_space<vmem>>
        %dma_wait3A_576 = arith.constant 0 : i32
        %dma_wait3A_577 = tpu.memref_slice %arg6[%dma_wait3A_576] : memref<16384xi32, #tpu.memory_space<hbm>> -> memref<16384xi32, #tpu.memory_space<hbm>>
        tpu.wait_indirect_dma semaphore(%arg25 : memref<!tpu.dma_semaphore, #tpu.memory_space<semaphore_mem>>) src(%dma_wait3A_572 : memref<16xi32, #tpu.memory_space<vmem>>) dst(%dma_wait3A_577 : memref<16384xi32, #tpu.memory_space<hbm>>)
        %dma_wait3A_578 = arith.constant 0 : i32
        %dma_wait3A_579 = arith.constant 0 : i32
        %dma_wait3A_580 = arith.constant 0 : i32
        %dma_wait3A_581 = tpu.memref_slice %arg19[%dma_wait3A_578, %dma_wait3A_580] : memref<2x16xf32, #tpu.memory_space<vmem>> -> memref<1x16xf32, #tpu.memory_space<vmem>>
        %dma_wait3A_582 = tpu.memref_squeeze %dma_wait3A_581 : memref<1x16xf32, #tpu.memory_space<vmem>> -> memref<16xf32, #tpu.memory_space<vmem>>
        %dma_wait3A_583 = arith.constant 0 : i32
        %dma_wait3A_584 = tpu.memref_slice %arg16[%dma_wait3A_579, %dma_wait3A_583] : memref<2x16xi32, #tpu.memory_space<vmem>> -> memref<1x16xi32, #tpu.memory_space<vmem>>
        %dma_wait3A_585 = tpu.memref_squeeze %dma_wait3A_584 : memref<1x16xi32, #tpu.memory_space<vmem>> -> memref<16xi32, #tpu.memory_space<vmem>>
        %dma_wait3A_586 = arith.constant 0 : i32
        %dma_wait3A_587 = tpu.memref_slice %arg7[%dma_wait3A_586] : memref<16384xf32, #tpu.memory_space<hbm>> -> memref<16384xf32, #tpu.memory_space<hbm>>
        tpu.wait_indirect_dma semaphore(%arg25 : memref<!tpu.dma_semaphore, #tpu.memory_space<semaphore_mem>>) src(%dma_wait3A_582 : memref<16xf32, #tpu.memory_space<vmem>>) dst(%dma_wait3A_587 : memref<16384xf32, #tpu.memory_space<hbm>>)
        %dma_wait3A_588 = arith.constant 0 : i32
        %dma_wait3A_589 = arith.constant 0 : i32
        %dma_wait3A_590 = arith.constant 0 : i32
        %dma_wait3A_591 = tpu.memref_slice %arg20[%dma_wait3A_588, %dma_wait3A_590] : memref<2x16xf32, #tpu.memory_space<vmem>> -> memref<1x16xf32, #tpu.memory_space<vmem>>
        %dma_wait3A_592 = tpu.memref_squeeze %dma_wait3A_591 : memref<1x16xf32, #tpu.memory_space<vmem>> -> memref<16xf32, #tpu.memory_space<vmem>>
        %dma_wait3A_593 = arith.constant 0 : i32
        %dma_wait3A_594 = tpu.memref_slice %arg17[%dma_wait3A_589, %dma_wait3A_593] : memref<2x16xi32, #tpu.memory_space<vmem>> -> memref<1x16xi32, #tpu.memory_space<vmem>>
        %dma_wait3A_595 = tpu.memref_squeeze %dma_wait3A_594 : memref<1x16xi32, #tpu.memory_space<vmem>> -> memref<16xi32, #tpu.memory_space<vmem>>
        %dma_wait3A_596 = arith.constant 0 : i32
        %dma_wait3A_597 = tpu.memref_slice %arg7[%dma_wait3A_596] : memref<16384xf32, #tpu.memory_space<hbm>> -> memref<16384xf32, #tpu.memory_space<hbm>>
        tpu.wait_indirect_dma semaphore(%arg25 : memref<!tpu.dma_semaphore, #tpu.memory_space<semaphore_mem>>) src(%dma_wait3A_592 : memref<16xf32, #tpu.memory_space<vmem>>) dst(%dma_wait3A_597 : memref<16384xf32, #tpu.memory_space<hbm>>)
      } else {
      }
      %swap3A_223 = arith.constant 0 : i32
      %swap3A_224 = arith.index_cast %swap3A_223 : i32 to index
      %swap3A_225 = arith.constant 0 : index
      %swap3A_226 = tpu.vector_load %arg16[%swap3A_224, %swap3A_225] {strides = array<i32>} : memref<2x16xi32, #tpu.memory_space<vmem>>, vector<1x16xi32>,
      %swap3A_227 = vector.shape_cast %swap3A_226 : vector<1x16xi32> to vector<16xi32>
      %swap3A_228 = vector.shape_cast %get3A_194 : vector<16xi32> to vector<1x16xi32>
      tpu.vector_store %arg16[%swap3A_224, %swap3A_225], %swap3A_228 {strides = array<i32>} : memref<2x16xi32, #tpu.memory_space<vmem>>, vector<1x16xi32>,
      %swap3A_229 = arith.constant 0 : i32
      %swap3A_230 = arith.index_cast %swap3A_229 : i32 to index
      %swap3A_231 = arith.constant 0 : index
      %swap3A_232 = tpu.vector_load %arg17[%swap3A_230, %swap3A_231] {strides = array<i32>} : memref<2x16xi32, #tpu.memory_space<vmem>>, vector<1x16xi32>,
      %swap3A_233 = vector.shape_cast %swap3A_232 : vector<1x16xi32> to vector<16xi32>
      %swap3A_234 = vector.shape_cast %get3A_201 : vector<16xi32> to vector<1x16xi32>
      tpu.vector_store %arg17[%swap3A_230, %swap3A_231], %swap3A_234 {strides = array<i32>} : memref<2x16xi32, #tpu.memory_space<vmem>>, vector<1x16xi32>,
      %add3A_235 = vector.broadcast %add3A_146 : i32 to vector<16xi32>
      %add3A_236 = arith.addi %add3A_235, %iota3A : vector<16xi32>
      %swap3A_237 = arith.constant 0 : i32
      %swap3A_238 = arith.index_cast %swap3A_237 : i32 to index
      %swap3A_239 = arith.constant 0 : index
      %swap3A_240 = tpu.vector_load %arg18[%swap3A_238, %swap3A_239] {strides = array<i32>} : memref<2x16xi32, #tpu.memory_space<vmem>>, vector<1x16xi32>,
      %swap3A_241 = vector.shape_cast %swap3A_240 : vector<1x16xi32> to vector<16xi32>
      %swap3A_242 = vector.shape_cast %add3A_236 : vector<16xi32> to vector<1x16xi32>
      tpu.vector_store %arg18[%swap3A_238, %swap3A_239], %swap3A_242 {strides = array<i32>} : memref<2x16xi32, #tpu.memory_space<vmem>>, vector<1x16xi32>,
      %get3A_243 = arith.constant 0 : i32
      %get3A_244 = arith.constant 0 : i32
      %get3A_245 = arith.index_cast %get3A_243 : i32 to index
      %get3A_246 = arith.index_cast %get3A_244 : i32 to index
      %get3A_247 = arith.constant 0 : index
      %get3A_248 = tpu.vector_load %arg9[%get3A_245, %get3A_246, %get3A_247] {strides = array<i32>} : memref<2x2x16xf32, #tpu.memory_space<vmem>>, vector<1x1x16xf32>,
      %get3A_249 = vector.shape_cast %get3A_248 : vector<1x1x16xf32> to vector<16xf32>
      %swap3A_250 = arith.constant 0 : i32
      %swap3A_251 = arith.index_cast %swap3A_250 : i32 to index
      %swap3A_252 = arith.constant 0 : index
      %swap3A_253 = tpu.vector_load %arg19[%swap3A_251, %swap3A_252] {strides = array<i32>} : memref<2x16xf32, #tpu.memory_space<vmem>>, vector<1x16xf32>,
      %swap3A_254 = vector.shape_cast %swap3A_253 : vector<1x16xf32> to vector<16xf32>
      %swap3A_255 = vector.shape_cast %get3A_249 : vector<16xf32> to vector<1x16xf32>
      tpu.vector_store %arg19[%swap3A_251, %swap3A_252], %swap3A_255 {strides = array<i32>} : memref<2x16xf32, #tpu.memory_space<vmem>>, vector<1x16xf32>,
      %get3A_256 = arith.constant 0 : i32
      %get3A_257 = arith.constant 1 : i32
      %get3A_258 = arith.index_cast %get3A_256 : i32 to index
      %get3A_259 = arith.index_cast %get3A_257 : i32 to index
      %get3A_260 = arith.constant 0 : index
      %get3A_261 = tpu.vector_load %arg9[%get3A_258, %get3A_259, %get3A_260] {strides = array<i32>} : memref<2x2x16xf32, #tpu.memory_space<vmem>>, vector<1x1x16xf32>,
      %get3A_262 = vector.shape_cast %get3A_261 : vector<1x1x16xf32> to vector<16xf32>
      %swap3A_263 = arith.constant 0 : i32
      %swap3A_264 = arith.index_cast %swap3A_263 : i32 to index
      %swap3A_265 = arith.constant 0 : index
      %swap3A_266 = tpu.vector_load %arg20[%swap3A_264, %swap3A_265] {strides = array<i32>} : memref<2x16xf32, #tpu.memory_space<vmem>>, vector<1x16xf32>,
      %swap3A_267 = vector.shape_cast %swap3A_266 : vector<1x16xf32> to vector<16xf32>
      %swap3A_268 = vector.shape_cast %get3A_262 : vector<16xf32> to vector<1x16xf32>
      tpu.vector_store %arg20[%swap3A_264, %swap3A_265], %swap3A_268 {strides = array<i32>} : memref<2x16xf32, #tpu.memory_space<vmem>>, vector<1x16xf32>,
      %dma_start3A_269 = arith.constant 0 : i32
      %dma_start3A_270 = arith.constant 0 : i32
      %dma_start3A_271 = arith.constant 0 : i32
      %dma_start3A_272 = tpu.memref_slice %arg18[%dma_start3A_269, %dma_start3A_271] : memref<2x16xi32, #tpu.memory_space<vmem>> -> memref<1x16xi32, #tpu.memory_space<vmem>>
      %dma_start3A_273 = tpu.memref_squeeze %dma_start3A_272 : memref<1x16xi32, #tpu.memory_space<vmem>> -> memref<16xi32, #tpu.memory_space<vmem>>
      %dma_start3A_274 = arith.constant 0 : i32
      %dma_start3A_275 = tpu.memref_slice %arg16[%dma_start3A_270, %dma_start3A_274] : memref<2x16xi32, #tpu.memory_space<vmem>> -> memref<1x16xi32, #tpu.memory_space<vmem>>
      %dma_start3A_276 = tpu.memref_squeeze %dma_start3A_275 : memref<1x16xi32, #tpu.memory_space<vmem>> -> memref<16xi32, #tpu.memory_space<vmem>>
      %dma_start3A_277 = arith.constant 0 : i32
      %dma_start3A_278 = tpu.memref_slice %arg6[%dma_start3A_277] : memref<16384xi32, #tpu.memory_space<hbm>> -> memref<16384xi32, #tpu.memory_space<hbm>>
      tpu.enqueue_indirect_dma source(%dma_start3A_273 : memref<16xi32, #tpu.memory_space<vmem>>) target(%dma_start3A_278 : memref<16384xi32, #tpu.memory_space<hbm>>) offsets(%dma_start3A_276 : memref<16xi32, #tpu.memory_space<vmem>>) semaphore(%arg25 : memref<!tpu.dma_semaphore, #tpu.memory_space<semaphore_mem>>)
      %dma_start3A_279 = arith.constant 0 : i32
      %dma_start3A_280 = arith.constant 0 : i32
      %dma_start3A_281 = arith.constant 0 : i32
      %dma_start3A_282 = tpu.memref_slice %arg18[%dma_start3A_279, %dma_start3A_281] : memref<2x16xi32, #tpu.memory_space<vmem>> -> memref<1x16xi32, #tpu.memory_space<vmem>>
      %dma_start3A_283 = tpu.memref_squeeze %dma_start3A_282 : memref<1x16xi32, #tpu.memory_space<vmem>> -> memref<16xi32, #tpu.memory_space<vmem>>
      %dma_start3A_284 = arith.constant 0 : i32
      %dma_start3A_285 = tpu.memref_slice %arg17[%dma_start3A_280, %dma_start3A_284] : memref<2x16xi32, #tpu.memory_space<vmem>> -> memref<1x16xi32, #tpu.memory_space<vmem>>
      %dma_start3A_286 = tpu.memref_squeeze %dma_start3A_285 : memref<1x16xi32, #tpu.memory_space<vmem>> -> memref<16xi32, #tpu.memory_space<vmem>>
      %dma_start3A_287 = arith.constant 0 : i32
      %dma_start3A_288 = tpu.memref_slice %arg6[%dma_start3A_287] : memref<16384xi32, #tpu.memory_space<hbm>> -> memref<16384xi32, #tpu.memory_space<hbm>>
      tpu.enqueue_indirect_dma source(%dma_start3A_283 : memref<16xi32, #tpu.memory_space<vmem>>) target(%dma_start3A_288 : memref<16384xi32, #tpu.memory_space<hbm>>) offsets(%dma_start3A_286 : memref<16xi32, #tpu.memory_space<vmem>>) semaphore(%arg25 : memref<!tpu.dma_semaphore, #tpu.memory_space<semaphore_mem>>)
      %dma_start3A_289 = arith.constant 0 : i32
      %dma_start3A_290 = arith.constant 0 : i32
      %dma_start3A_291 = arith.constant 0 : i32
      %dma_start3A_292 = tpu.memref_slice %arg19[%dma_start3A_289, %dma_start3A_291] : memref<2x16xf32, #tpu.memory_space<vmem>> -> memref<1x16xf32, #tpu.memory_space<vmem>>
      %dma_start3A_293 = tpu.memref_squeeze %dma_start3A_292 : memref<1x16xf32, #tpu.memory_space<vmem>> -> memref<16xf32, #tpu.memory_space<vmem>>
      %dma_start3A_294 = arith.constant 0 : i32
      %dma_start3A_295 = tpu.memref_slice %arg16[%dma_start3A_290, %dma_start3A_294] : memref<2x16xi32, #tpu.memory_space<vmem>> -> memref<1x16xi32, #tpu.memory_space<vmem>>
      %dma_start3A_296 = tpu.memref_squeeze %dma_start3A_295 : memref<1x16xi32, #tpu.memory_space<vmem>> -> memref<16xi32, #tpu.memory_space<vmem>>
      %dma_start3A_297 = arith.constant 0 : i32
      %dma_start3A_298 = tpu.memref_slice %arg7[%dma_start3A_297] : memref<16384xf32, #tpu.memory_space<hbm>> -> memref<16384xf32, #tpu.memory_space<hbm>>
      tpu.enqueue_indirect_dma source(%dma_start3A_293 : memref<16xf32, #tpu.memory_space<vmem>>) target(%dma_start3A_298 : memref<16384xf32, #tpu.memory_space<hbm>>) offsets(%dma_start3A_296 : memref<16xi32, #tpu.memory_space<vmem>>) semaphore(%arg25 : memref<!tpu.dma_semaphore, #tpu.memory_space<semaphore_mem>>)
      %dma_start3A_299 = arith.constant 0 : i32
      %dma_start3A_300 = arith.constant 0 : i32
      %dma_start3A_301 = arith.constant 0 : i32
      %dma_start3A_302 = tpu.memref_slice %arg20[%dma_start3A_299, %dma_start3A_301] : memref<2x16xf32, #tpu.memory_space<vmem>> -> memref<1x16xf32, #tpu.memory_space<vmem>>
      %dma_start3A_303 = tpu.memref_squeeze %dma_start3A_302 : memref<1x16xf32, #tpu.memory_space<vmem>> -> memref<16xf32, #tpu.memory_space<vmem>>
      %dma_start3A_304 = arith.constant 0 : i32
      %dma_start3A_305 = tpu.memref_slice %arg17[%dma_start3A_300, %dma_start3A_304] : memref<2x16xi32, #tpu.memory_space<vmem>> -> memref<1x16xi32, #tpu.memory_space<vmem>>
      %dma_start3A_306 = tpu.memref_squeeze %dma_start3A_305 : memref<1x16xi32, #tpu.memory_space<vmem>> -> memref<16xi32, #tpu.memory_space<vmem>>
      %dma_start3A_307 = arith.constant 0 : i32
      %dma_start3A_308 = tpu.memref_slice %arg7[%dma_start3A_307] : memref<16384xf32, #tpu.memory_space<hbm>> -> memref<16384xf32, #tpu.memory_space<hbm>>
      tpu.enqueue_indirect_dma source(%dma_start3A_303 : memref<16xf32, #tpu.memory_space<vmem>>) target(%dma_start3A_308 : memref<16384xf32, #tpu.memory_space<hbm>>) offsets(%dma_start3A_306 : memref<16xi32, #tpu.memory_space<vmem>>) semaphore(%arg25 : memref<!tpu.dma_semaphore, #tpu.memory_space<semaphore_mem>>)
      %ge3A_309 = arith.constant 1 : i32
      %ge3A_310 = arith.cmpi sge, %add3A_143, %ge3A_309 : i32
      %convert_element_type3A_311 = arith.extui %ge3A_310 : i1 to i32
      %cond3A_312 = arith.constant 0 : i32
      %cond3A_313 = arith.cmpi ne, %convert_element_type3A_311, %cond3A_312 : i32
      scf.if %cond3A_313 {
        %dma_wait3A_558 = arith.constant 0 : i32
        %dma_wait3A_559 = arith.constant 2048 : i32
        %dma_wait3A_560 = tpu.memref_slice %arg5[%dma_wait3A_558, %dma_wait3A_559] : memref<16384x4096xf32, #tpu.memory_space<hbm>> -> memref<16384x2048xf32, #tpu.memory_space<hbm>>
        tpu.wait_indirect_dma semaphore(%arg24 : memref<!tpu.dma_semaphore, #tpu.memory_space<semaphore_mem>>) src(%arg11 : memref<16x2048xf32, #tpu.memory_space<vmem>>) dst(%dma_wait3A_560 : memref<16384x2048xf32, #tpu.memory_space<hbm>>)
        %dma_wait3A_561 = arith.constant 0 : i32
        %dma_wait3A_562 = arith.constant 2048 : i32
        %dma_wait3A_563 = tpu.memref_slice %arg5[%dma_wait3A_561, %dma_wait3A_562] : memref<16384x4096xf32, #tpu.memory_space<hbm>> -> memref<16384x2048xf32, #tpu.memory_space<hbm>>
        tpu.wait_indirect_dma semaphore(%arg24 : memref<!tpu.dma_semaphore, #tpu.memory_space<semaphore_mem>>) src(%arg11 : memref<16x2048xf32, #tpu.memory_space<vmem>>) dst(%dma_wait3A_563 : memref<16384x2048xf32, #tpu.memory_space<hbm>>)
      } else {
      }
      %dma_start3A_314 = arith.constant 2048 : i32
      %dma_start3A_315 = tpu.memref_slice %arg2[%add3A_146, %dma_start3A_314] : memref<8192x4096xf32, #tpu.memory_space<hbm>> -> memref<16x2048xf32, #tpu.memory_space<hbm>>
      %dma_start3A_316 = arith.constant 2048 : i32
      %dma_start3A_317 = tpu.memref_slice %arg2[%add3A_146, %dma_start3A_316] : memref<8192x4096xf32, #tpu.memory_space<hbm>> -> memref<16x2048xf32, #tpu.memory_space<hbm>>
      tpu.enqueue_dma source(%dma_start3A_317 : memref<16x2048xf32, #tpu.memory_space<hbm>>) target(%arg11 : memref<16x2048xf32, #tpu.memory_space<vmem>>) target_semaphore(%arg22 : memref<!tpu.dma_semaphore, #tpu.memory_space<semaphore_mem>>)
      %dma_wait3A_318 = arith.constant 2048 : i32
      %dma_wait3A_319 = tpu.memref_slice %arg2[%add3A_146, %dma_wait3A_318] : memref<8192x4096xf32, #tpu.memory_space<hbm>> -> memref<16x2048xf32, #tpu.memory_space<hbm>>
      %dma_wait3A_320 = arith.constant 2048 : i32
      %dma_wait3A_321 = tpu.memref_slice %arg2[%add3A_146, %dma_wait3A_320] : memref<8192x4096xf32, #tpu.memory_space<hbm>> -> memref<16x2048xf32, #tpu.memory_space<hbm>>
      tpu.wait_dma2 semaphore(%arg22 : memref<!tpu.dma_semaphore, #tpu.memory_space<semaphore_mem>>) src(%dma_wait3A_321 : memref<16x2048xf32, #tpu.memory_space<hbm>>) dst(%arg11 : memref<16x2048xf32, #tpu.memory_space<vmem>>)
      %swap3A_322 = arith.constant 0 : index
      %swap3A_323 = tpu.vector_load %arg14[%swap3A_322] {strides = array<i32>} : memref<16xi32, #tpu.memory_space<vmem>>, vector<16xi32>,
      %swap3A_324 = vector.shape_cast %swap3A_323 : vector<16xi32> to vector<16xi32>
      %swap3A_325 = vector.shape_cast %get3A_194 : vector<16xi32> to vector<16xi32>
      tpu.vector_store %arg14[%swap3A_322], %swap3A_325 {strides = array<i32>} : memref<16xi32, #tpu.memory_space<vmem>>, vector<16xi32>,
      %swap3A_326 = arith.constant 0 : index
      %swap3A_327 = tpu.vector_load %arg15[%swap3A_326] {strides = array<i32>} : memref<16xi32, #tpu.memory_space<vmem>>, vector<16xi32>,
      %swap3A_328 = vector.shape_cast %swap3A_327 : vector<16xi32> to vector<16xi32>
      %swap3A_329 = vector.shape_cast %get3A_201 : vector<16xi32> to vector<16xi32>
      tpu.vector_store %arg15[%swap3A_326], %swap3A_329 {strides = array<i32>} : memref<16xi32, #tpu.memory_space<vmem>>, vector<16xi32>,
      %dma_start3A_330 = arith.constant 0 : i32
      %dma_start3A_331 = arith.constant 2048 : i32
      %dma_start3A_332 = tpu.memref_slice %arg5[%dma_start3A_330, %dma_start3A_331] : memref<16384x4096xf32, #tpu.memory_space<hbm>> -> memref<16384x2048xf32, #tpu.memory_space<hbm>>
      tpu.enqueue_indirect_dma source(%arg11 : memref<16x2048xf32, #tpu.memory_space<vmem>>) target(%dma_start3A_332 : memref<16384x2048xf32, #tpu.memory_space<hbm>>) offsets(%arg14 : memref<16xi32, #tpu.memory_space<vmem>>) semaphore(%arg24 : memref<!tpu.dma_semaphore, #tpu.memory_space<semaphore_mem>>)
      %dma_start3A_333 = arith.constant 0 : i32
      %dma_start3A_334 = arith.constant 2048 : i32
      %dma_start3A_335 = tpu.memref_slice %arg5[%dma_start3A_333, %dma_start3A_334] : memref<16384x4096xf32, #tpu.memory_space<hbm>> -> memref<16384x2048xf32, #tpu.memory_space<hbm>>
      tpu.enqueue_indirect_dma source(%arg11 : memref<16x2048xf32, #tpu.memory_space<vmem>>) target(%dma_start3A_335 : memref<16384x2048xf32, #tpu.memory_space<hbm>>) offsets(%arg15 : memref<16xi32, #tpu.memory_space<vmem>>) semaphore(%arg24 : memref<!tpu.dma_semaphore, #tpu.memory_space<semaphore_mem>>)
      %dma_wait3A_336 = arith.constant 0 : i32
      %dma_wait3A_337 = arith.constant 0 : i32
      %dma_wait3A_338 = tpu.memref_slice %arg5[%dma_wait3A_336, %dma_wait3A_337] : memref<16384x4096xf32, #tpu.memory_space<hbm>> -> memref<16384x2048xf32, #tpu.memory_space<hbm>>
      tpu.wait_indirect_dma semaphore(%arg23 : memref<!tpu.dma_semaphore, #tpu.memory_space<semaphore_mem>>) src(%arg10 : memref<16x2048xf32, #tpu.memory_space<vmem>>) dst(%dma_wait3A_338 : memref<16384x2048xf32, #tpu.memory_space<hbm>>)
      %dma_wait3A_339 = arith.constant 0 : i32
      %dma_wait3A_340 = arith.constant 0 : i32
      %dma_wait3A_341 = tpu.memref_slice %arg5[%dma_wait3A_339, %dma_wait3A_340] : memref<16384x4096xf32, #tpu.memory_space<hbm>> -> memref<16384x2048xf32, #tpu.memory_space<hbm>>
      tpu.wait_indirect_dma semaphore(%arg23 : memref<!tpu.dma_semaphore, #tpu.memory_space<semaphore_mem>>) src(%arg10 : memref<16x2048xf32, #tpu.memory_space<vmem>>) dst(%dma_wait3A_341 : memref<16384x2048xf32, #tpu.memory_space<hbm>>)
      %lt3A_342 = arith.constant 15 : i32
      %lt3A_343 = arith.cmpi slt, %add3A_143, %lt3A_342 : i32
      %convert_element_type3A_344 = arith.extui %lt3A_343 : i1 to i32
      %cond3A_345 = arith.constant 0 : i32
      %cond3A_346 = arith.cmpi ne, %convert_element_type3A_344, %cond3A_345 : i32
      scf.if %cond3A_346 {
        %add3A_558 = arith.constant 16 : i32
        %add3A_559 = arith.addi %add3A_146, %add3A_558 : i32
        %dma_start3A_560 = arith.constant 0 : i32
        %dma_start3A_561 = tpu.memref_slice %arg2[%add3A_559, %dma_start3A_560] : memref<8192x4096xf32, #tpu.memory_space<hbm>> -> memref<16x2048xf32, #tpu.memory_space<hbm>>
        %dma_start3A_562 = arith.constant 0 : i32
        %dma_start3A_563 = tpu.memref_slice %arg2[%add3A_559, %dma_start3A_562] : memref<8192x4096xf32, #tpu.memory_space<hbm>> -> memref<16x2048xf32, #tpu.memory_space<hbm>>
        tpu.enqueue_dma source(%dma_start3A_563 : memref<16x2048xf32, #tpu.memory_space<hbm>>) target(%arg10 : memref<16x2048xf32, #tpu.memory_space<vmem>>) target_semaphore(%arg21 : memref<!tpu.dma_semaphore, #tpu.memory_space<semaphore_mem>>)
      } else {
      }
      %add3A_347 = arith.constant 1 : i32
      %add3A_348 = arith.addi %add3A_141, %add3A_347 : i32
      %mul3A_349 = arith.constant 16 : i32
      %mul3A_350 = arith.muli %add3A_348, %mul3A_349 : i32
      %add3A_351 = arith.addi %mul3A_2, %mul3A_350 : i32
      %mul3A_352 = arith.constant 16 : i32
      %mul3A_353 = arith.muli %add3A, %mul3A_352 : i32
      %add3A_354 = arith.addi %mul3A_353, %add3A_348 : i32
      %dma_wait3A_355 = arith.constant 1 : i32
      %dma_wait3A_356 = arith.constant 0 : i32
      %dma_wait3A_357 = arith.constant 0 : i32
      %dma_wait3A_358 = tpu.memref_slice %arg8[%dma_wait3A_355, %dma_wait3A_356, %dma_wait3A_357] : memref<2x2x16xi32, #tpu.memory_space<vmem>> -> memref<1x2x16xi32, #tpu.memory_space<vmem>>
      %dma_wait3A_359 = tpu.memref_squeeze %dma_wait3A_358 : memref<1x2x16xi32, #tpu.memory_space<vmem>> -> memref<2x16xi32, #tpu.memory_space<vmem>>
      %dma_wait3A_360 = arith.constant 0 : i32
      %dma_wait3A_361 = arith.constant 0 : i32
      %dma_wait3A_362 = tpu.memref_slice %arg3[%add3A_354, %dma_wait3A_360, %dma_wait3A_361] : memref<512x2x16xi32, #tpu.memory_space<hbm>> -> memref<1x2x16xi32, #tpu.memory_space<hbm>>
      %dma_wait3A_363 = tpu.memref_squeeze %dma_wait3A_362 : memref<1x2x16xi32, #tpu.memory_space<hbm>> -> memref<2x16xi32, #tpu.memory_space<hbm>>
      %dma_wait3A_364 = arith.constant 0 : i32
      %dma_wait3A_365 = arith.constant 0 : i32
      %dma_wait3A_366 = tpu.memref_slice %arg8[%dma_wait3A_355, %dma_wait3A_364, %dma_wait3A_365] : memref<2x2x16xi32, #tpu.memory_space<vmem>> -> memref<1x2x16xi32, #tpu.memory_space<vmem>>
      %dma_wait3A_367 = tpu.memref_squeeze %dma_wait3A_366 : memref<1x2x16xi32, #tpu.memory_space<vmem>> -> memref<2x16xi32, #tpu.memory_space<vmem>>
      %dma_wait3A_368 = arith.constant 0 : i32
      %dma_wait3A_369 = arith.constant 0 : i32
      %dma_wait3A_370 = tpu.memref_slice %arg3[%add3A_354, %dma_wait3A_368, %dma_wait3A_369] : memref<512x2x16xi32, #tpu.memory_space<hbm>> -> memref<1x2x16xi32, #tpu.memory_space<hbm>>
      %dma_wait3A_371 = tpu.memref_squeeze %dma_wait3A_370 : memref<1x2x16xi32, #tpu.memory_space<hbm>> -> memref<2x16xi32, #tpu.memory_space<hbm>>
      tpu.wait_dma2 semaphore(%arg28 : memref<!tpu.dma_semaphore, #tpu.memory_space<semaphore_mem>>) src(%dma_wait3A_371 : memref<2x16xi32, #tpu.memory_space<hbm>>) dst(%dma_wait3A_367 : memref<2x16xi32, #tpu.memory_space<vmem>>)
      %mul3A_372 = arith.constant 16 : i32
      %mul3A_373 = arith.muli %add3A, %mul3A_372 : i32
      %add3A_374 = arith.addi %mul3A_373, %add3A_348 : i32
      %dma_wait3A_375 = arith.constant 1 : i32
      %dma_wait3A_376 = arith.constant 0 : i32
      %dma_wait3A_377 = arith.constant 0 : i32
      %dma_wait3A_378 = tpu.memref_slice %arg9[%dma_wait3A_375, %dma_wait3A_376, %dma_wait3A_377] : memref<2x2x16xf32, #tpu.memory_space<vmem>> -> memref<1x2x16xf32, #tpu.memory_space<vmem>>
      %dma_wait3A_379 = tpu.memref_squeeze %dma_wait3A_378 : memref<1x2x16xf32, #tpu.memory_space<vmem>> -> memref<2x16xf32, #tpu.memory_space<vmem>>
      %dma_wait3A_380 = arith.constant 0 : i32
      %dma_wait3A_381 = arith.constant 0 : i32
      %dma_wait3A_382 = tpu.memref_slice %arg4[%add3A_374, %dma_wait3A_380, %dma_wait3A_381] : memref<512x2x16xf32, #tpu.memory_space<hbm>> -> memref<1x2x16xf32, #tpu.memory_space<hbm>>
      %dma_wait3A_383 = tpu.memref_squeeze %dma_wait3A_382 : memref<1x2x16xf32, #tpu.memory_space<hbm>> -> memref<2x16xf32, #tpu.memory_space<hbm>>
      %dma_wait3A_384 = arith.constant 0 : i32
      %dma_wait3A_385 = arith.constant 0 : i32
      %dma_wait3A_386 = tpu.memref_slice %arg9[%dma_wait3A_375, %dma_wait3A_384, %dma_wait3A_385] : memref<2x2x16xf32, #tpu.memory_space<vmem>> -> memref<1x2x16xf32, #tpu.memory_space<vmem>>
      %dma_wait3A_387 = tpu.memref_squeeze %dma_wait3A_386 : memref<1x2x16xf32, #tpu.memory_space<vmem>> -> memref<2x16xf32, #tpu.memory_space<vmem>>
      %dma_wait3A_388 = arith.constant 0 : i32
      %dma_wait3A_389 = arith.constant 0 : i32
      %dma_wait3A_390 = tpu.memref_slice %arg4[%add3A_374, %dma_wait3A_388, %dma_wait3A_389] : memref<512x2x16xf32, #tpu.memory_space<hbm>> -> memref<1x2x16xf32, #tpu.memory_space<hbm>>
      %dma_wait3A_391 = tpu.memref_squeeze %dma_wait3A_390 : memref<1x2x16xf32, #tpu.memory_space<hbm>> -> memref<2x16xf32, #tpu.memory_space<hbm>>
      tpu.wait_dma2 semaphore(%arg28 : memref<!tpu.dma_semaphore, #tpu.memory_space<semaphore_mem>>) src(%dma_wait3A_391 : memref<2x16xf32, #tpu.memory_space<hbm>>) dst(%dma_wait3A_387 : memref<2x16xf32, #tpu.memory_space<vmem>>)
      %lt3A_392 = arith.constant 15 : i32
      %lt3A_393 = arith.cmpi slt, %add3A_348, %lt3A_392 : i32
      %convert_element_type3A_394 = arith.extui %lt3A_393 : i1 to i32
      %cond3A_395 = arith.constant 0 : i32
      %cond3A_396 = arith.cmpi ne, %convert_element_type3A_394, %cond3A_395 : i32
      scf.if %cond3A_396 {
        %add3A_558 = arith.constant 1 : i32
        %add3A_559 = arith.addi %add3A_348, %add3A_558 : i32
        %mul3A_560 = arith.constant 16 : i32
        %mul3A_561 = arith.muli %add3A, %mul3A_560 : i32
        %add3A_562 = arith.addi %mul3A_561, %add3A_559 : i32
        %dma_start3A_563 = arith.constant 0 : i32
        %dma_start3A_564 = arith.constant 0 : i32
        %dma_start3A_565 = arith.constant 0 : i32
        %dma_start3A_566 = tpu.memref_slice %arg8[%dma_start3A_563, %dma_start3A_564, %dma_start3A_565] : memref<2x2x16xi32, #tpu.memory_space<vmem>> -> memref<1x2x16xi32, #tpu.memory_space<vmem>>
        %dma_start3A_567 = tpu.memref_squeeze %dma_start3A_566 : memref<1x2x16xi32, #tpu.memory_space<vmem>> -> memref<2x16xi32, #tpu.memory_space<vmem>>
        %dma_start3A_568 = arith.constant 0 : i32
        %dma_start3A_569 = arith.constant 0 : i32
        %dma_start3A_570 = tpu.memref_slice %arg3[%add3A_562, %dma_start3A_568, %dma_start3A_569] : memref<512x2x16xi32, #tpu.memory_space<hbm>> -> memref<1x2x16xi32, #tpu.memory_space<hbm>>
        %dma_start3A_571 = tpu.memref_squeeze %dma_start3A_570 : memref<1x2x16xi32, #tpu.memory_space<hbm>> -> memref<2x16xi32, #tpu.memory_space<hbm>>
        %dma_start3A_572 = arith.constant 0 : i32
        %dma_start3A_573 = arith.constant 0 : i32
        %dma_start3A_574 = tpu.memref_slice %arg8[%dma_start3A_563, %dma_start3A_572, %dma_start3A_573] : memref<2x2x16xi32, #tpu.memory_space<vmem>> -> memref<1x2x16xi32, #tpu.memory_space<vmem>>
        %dma_start3A_575 = tpu.memref_squeeze %dma_start3A_574 : memref<1x2x16xi32, #tpu.memory_space<vmem>> -> memref<2x16xi32, #tpu.memory_space<vmem>>
        %dma_start3A_576 = arith.constant 0 : i32
        %dma_start3A_577 = arith.constant 0 : i32
        %dma_start3A_578 = tpu.memref_slice %arg3[%add3A_562, %dma_start3A_576, %dma_start3A_577] : memref<512x2x16xi32, #tpu.memory_space<hbm>> -> memref<1x2x16xi32, #tpu.memory_space<hbm>>
        %dma_start3A_579 = tpu.memref_squeeze %dma_start3A_578 : memref<1x2x16xi32, #tpu.memory_space<hbm>> -> memref<2x16xi32, #tpu.memory_space<hbm>>
        tpu.enqueue_dma source(%dma_start3A_579 : memref<2x16xi32, #tpu.memory_space<hbm>>) target(%dma_start3A_575 : memref<2x16xi32, #tpu.memory_space<vmem>>) target_semaphore(%arg27 : memref<!tpu.dma_semaphore, #tpu.memory_space<semaphore_mem>>)
        %mul3A_580 = arith.constant 16 : i32
        %mul3A_581 = arith.muli %add3A, %mul3A_580 : i32
        %add3A_582 = arith.addi %mul3A_581, %add3A_559 : i32
        %dma_start3A_583 = arith.constant 0 : i32
        %dma_start3A_584 = arith.constant 0 : i32
        %dma_start3A_585 = arith.constant 0 : i32
        %dma_start3A_586 = tpu.memref_slice %arg9[%dma_start3A_583, %dma_start3A_584, %dma_start3A_585] : memref<2x2x16xf32, #tpu.memory_space<vmem>> -> memref<1x2x16xf32, #tpu.memory_space<vmem>>
        %dma_start3A_587 = tpu.memref_squeeze %dma_start3A_586 : memref<1x2x16xf32, #tpu.memory_space<vmem>> -> memref<2x16xf32, #tpu.memory_space<vmem>>
        %dma_start3A_588 = arith.constant 0 : i32
        %dma_start3A_589 = arith.constant 0 : i32
        %dma_start3A_590 = tpu.memref_slice %arg4[%add3A_582, %dma_start3A_588, %dma_start3A_589] : memref<512x2x16xf32, #tpu.memory_space<hbm>> -> memref<1x2x16xf32, #tpu.memory_space<hbm>>
        %dma_start3A_591 = tpu.memref_squeeze %dma_start3A_590 : memref<1x2x16xf32, #tpu.memory_space<hbm>> -> memref<2x16xf32, #tpu.memory_space<hbm>>
        %dma_start3A_592 = arith.constant 0 : i32
        %dma_start3A_593 = arith.constant 0 : i32
        %dma_start3A_594 = tpu.memref_slice %arg9[%dma_start3A_583, %dma_start3A_592, %dma_start3A_593] : memref<2x2x16xf32, #tpu.memory_space<vmem>> -> memref<1x2x16xf32, #tpu.memory_space<vmem>>
        %dma_start3A_595 = tpu.memref_squeeze %dma_start3A_594 : memref<1x2x16xf32, #tpu.memory_space<vmem>> -> memref<2x16xf32, #tpu.memory_space<vmem>>
        %dma_start3A_596 = arith.constant 0 : i32
        %dma_start3A_597 = arith.constant 0 : i32
        %dma_start3A_598 = tpu.memref_slice %arg4[%add3A_582, %dma_start3A_596, %dma_start3A_597] : memref<512x2x16xf32, #tpu.memory_space<hbm>> -> memref<1x2x16xf32, #tpu.memory_space<hbm>>
        %dma_start3A_599 = tpu.memref_squeeze %dma_start3A_598 : memref<1x2x16xf32, #tpu.memory_space<hbm>> -> memref<2x16xf32, #tpu.memory_space<hbm>>
        tpu.enqueue_dma source(%dma_start3A_599 : memref<2x16xf32, #tpu.memory_space<hbm>>) target(%dma_start3A_595 : memref<2x16xf32, #tpu.memory_space<vmem>>) target_semaphore(%arg27 : memref<!tpu.dma_semaphore, #tpu.memory_space<semaphore_mem>>)
      } else {
      }
      %get3A_397 = arith.constant 1 : i32
      %get3A_398 = arith.constant 0 : i32
      %get3A_399 = arith.index_cast %get3A_397 : i32 to index
      %get3A_400 = arith.index_cast %get3A_398 : i32 to index
      %get3A_401 = arith.constant 0 : index
      %get3A_402 = tpu.vector_load %arg8[%get3A_399, %get3A_400, %get3A_401] {strides = array<i32>} : memref<2x2x16xi32, #tpu.memory_space<vmem>>, vector<1x1x16xi32>,
      %get3A_403 = vector.shape_cast %get3A_402 : vector<1x1x16xi32> to vector<16xi32>
      %get3A_404 = arith.constant 1 : i32
      %get3A_405 = arith.constant 1 : i32
      %get3A_406 = arith.index_cast %get3A_404 : i32 to index
      %get3A_407 = arith.index_cast %get3A_405 : i32 to index
      %get3A_408 = arith.constant 0 : index
      %get3A_409 = tpu.vector_load %arg8[%get3A_406, %get3A_407, %get3A_408] {strides = array<i32>} : memref<2x2x16xi32, #tpu.memory_space<vmem>>, vector<1x1x16xi32>,
      %get3A_410 = vector.shape_cast %get3A_409 : vector<1x1x16xi32> to vector<16xi32>
      %dma_wait3A_411 = arith.constant 0 : i32
      %dma_wait3A_412 = tpu.memref_slice %arg2[%add3A_351, %dma_wait3A_411] : memref<8192x4096xf32, #tpu.memory_space<hbm>> -> memref<16x2048xf32, #tpu.memory_space<hbm>>
      %dma_wait3A_413 = arith.constant 0 : i32
      %dma_wait3A_414 = tpu.memref_slice %arg2[%add3A_351, %dma_wait3A_413] : memref<8192x4096xf32, #tpu.memory_space<hbm>> -> memref<16x2048xf32, #tpu.memory_space<hbm>>
      tpu.wait_dma2 semaphore(%arg21 : memref<!tpu.dma_semaphore, #tpu.memory_space<semaphore_mem>>) src(%dma_wait3A_414 : memref<16x2048xf32, #tpu.memory_space<hbm>>) dst(%arg10 : memref<16x2048xf32, #tpu.memory_space<vmem>>)
      %swap3A_415 = arith.constant 0 : index
      %swap3A_416 = tpu.vector_load %arg12[%swap3A_415] {strides = array<i32>} : memref<16xi32, #tpu.memory_space<vmem>>, vector<16xi32>,
      %swap3A_417 = vector.shape_cast %swap3A_416 : vector<16xi32> to vector<16xi32>
      %swap3A_418 = vector.shape_cast %get3A_403 : vector<16xi32> to vector<16xi32>
      tpu.vector_store %arg12[%swap3A_415], %swap3A_418 {strides = array<i32>} : memref<16xi32, #tpu.memory_space<vmem>>, vector<16xi32>,
      %swap3A_419 = arith.constant 0 : index
      %swap3A_420 = tpu.vector_load %arg13[%swap3A_419] {strides = array<i32>} : memref<16xi32, #tpu.memory_space<vmem>>, vector<16xi32>,
      %swap3A_421 = vector.shape_cast %swap3A_420 : vector<16xi32> to vector<16xi32>
      %swap3A_422 = vector.shape_cast %get3A_410 : vector<16xi32> to vector<16xi32>
      tpu.vector_store %arg13[%swap3A_419], %swap3A_422 {strides = array<i32>} : memref<16xi32, #tpu.memory_space<vmem>>, vector<16xi32>,
      %dma_start3A_423 = arith.constant 0 : i32
      %dma_start3A_424 = arith.constant 0 : i32
      %dma_start3A_425 = tpu.memref_slice %arg5[%dma_start3A_423, %dma_start3A_424] : memref<16384x4096xf32, #tpu.memory_space<hbm>> -> memref<16384x2048xf32, #tpu.memory_space<hbm>>
      tpu.enqueue_indirect_dma source(%arg10 : memref<16x2048xf32, #tpu.memory_space<vmem>>) target(%dma_start3A_425 : memref<16384x2048xf32, #tpu.memory_space<hbm>>) offsets(%arg12 : memref<16xi32, #tpu.memory_space<vmem>>) semaphore(%arg23 : memref<!tpu.dma_semaphore, #tpu.memory_space<semaphore_mem>>)
      %dma_start3A_426 = arith.constant 0 : i32
      %dma_start3A_427 = arith.constant 0 : i32
      %dma_start3A_428 = tpu.memref_slice %arg5[%dma_start3A_426, %dma_start3A_427] : memref<16384x4096xf32, #tpu.memory_space<hbm>> -> memref<16384x2048xf32, #tpu.memory_space<hbm>>
      tpu.enqueue_indirect_dma source(%arg10 : memref<16x2048xf32, #tpu.memory_space<vmem>>) target(%dma_start3A_428 : memref<16384x2048xf32, #tpu.memory_space<hbm>>) offsets(%arg13 : memref<16xi32, #tpu.memory_space<vmem>>) semaphore(%arg23 : memref<!tpu.dma_semaphore, #tpu.memory_space<semaphore_mem>>)
      %ge3A_429 = arith.constant 2 : i32
      %ge3A_430 = arith.cmpi sge, %add3A_348, %ge3A_429 : i32
      %convert_element_type3A_431 = arith.extui %ge3A_430 : i1 to i32
      %cond3A_432 = arith.constant 0 : i32
      %cond3A_433 = arith.cmpi ne, %convert_element_type3A_431, %cond3A_432 : i32
      scf.if %cond3A_433 {
        %dma_wait3A_558 = arith.constant 1 : i32
        %dma_wait3A_559 = arith.constant 1 : i32
        %dma_wait3A_560 = arith.constant 0 : i32
        %dma_wait3A_561 = tpu.memref_slice %arg18[%dma_wait3A_558, %dma_wait3A_560] : memref<2x16xi32, #tpu.memory_space<vmem>> -> memref<1x16xi32, #tpu.memory_space<vmem>>
        %dma_wait3A_562 = tpu.memref_squeeze %dma_wait3A_561 : memref<1x16xi32, #tpu.memory_space<vmem>> -> memref<16xi32, #tpu.memory_space<vmem>>
        %dma_wait3A_563 = arith.constant 0 : i32
        %dma_wait3A_564 = tpu.memref_slice %arg16[%dma_wait3A_559, %dma_wait3A_563] : memref<2x16xi32, #tpu.memory_space<vmem>> -> memref<1x16xi32, #tpu.memory_space<vmem>>
        %dma_wait3A_565 = tpu.memref_squeeze %dma_wait3A_564 : memref<1x16xi32, #tpu.memory_space<vmem>> -> memref<16xi32, #tpu.memory_space<vmem>>
        %dma_wait3A_566 = arith.constant 0 : i32
        %dma_wait3A_567 = tpu.memref_slice %arg6[%dma_wait3A_566] : memref<16384xi32, #tpu.memory_space<hbm>> -> memref<16384xi32, #tpu.memory_space<hbm>>
        tpu.wait_indirect_dma semaphore(%arg26 : memref<!tpu.dma_semaphore, #tpu.memory_space<semaphore_mem>>) src(%dma_wait3A_562 : memref<16xi32, #tpu.memory_space<vmem>>) dst(%dma_wait3A_567 : memref<16384xi32, #tpu.memory_space<hbm>>)
        %dma_wait3A_568 = arith.constant 1 : i32
        %dma_wait3A_569 = arith.constant 1 : i32
        %dma_wait3A_570 = arith.constant 0 : i32
        %dma_wait3A_571 = tpu.memref_slice %arg18[%dma_wait3A_568, %dma_wait3A_570] : memref<2x16xi32, #tpu.memory_space<vmem>> -> memref<1x16xi32, #tpu.memory_space<vmem>>
        %dma_wait3A_572 = tpu.memref_squeeze %dma_wait3A_571 : memref<1x16xi32, #tpu.memory_space<vmem>> -> memref<16xi32, #tpu.memory_space<vmem>>
        %dma_wait3A_573 = arith.constant 0 : i32
        %dma_wait3A_574 = tpu.memref_slice %arg17[%dma_wait3A_569, %dma_wait3A_573] : memref<2x16xi32, #tpu.memory_space<vmem>> -> memref<1x16xi32, #tpu.memory_space<vmem>>
        %dma_wait3A_575 = tpu.memref_squeeze %dma_wait3A_574 : memref<1x16xi32, #tpu.memory_space<vmem>> -> memref<16xi32, #tpu.memory_space<vmem>>
        %dma_wait3A_576 = arith.constant 0 : i32
        %dma_wait3A_577 = tpu.memref_slice %arg6[%dma_wait3A_576] : memref<16384xi32, #tpu.memory_space<hbm>> -> memref<16384xi32, #tpu.memory_space<hbm>>
        tpu.wait_indirect_dma semaphore(%arg26 : memref<!tpu.dma_semaphore, #tpu.memory_space<semaphore_mem>>) src(%dma_wait3A_572 : memref<16xi32, #tpu.memory_space<vmem>>) dst(%dma_wait3A_577 : memref<16384xi32, #tpu.memory_space<hbm>>)
        %dma_wait3A_578 = arith.constant 1 : i32
        %dma_wait3A_579 = arith.constant 1 : i32
        %dma_wait3A_580 = arith.constant 0 : i32
        %dma_wait3A_581 = tpu.memref_slice %arg19[%dma_wait3A_578, %dma_wait3A_580] : memref<2x16xf32, #tpu.memory_space<vmem>> -> memref<1x16xf32, #tpu.memory_space<vmem>>
        %dma_wait3A_582 = tpu.memref_squeeze %dma_wait3A_581 : memref<1x16xf32, #tpu.memory_space<vmem>> -> memref<16xf32, #tpu.memory_space<vmem>>
        %dma_wait3A_583 = arith.constant 0 : i32
        %dma_wait3A_584 = tpu.memref_slice %arg16[%dma_wait3A_579, %dma_wait3A_583] : memref<2x16xi32, #tpu.memory_space<vmem>> -> memref<1x16xi32, #tpu.memory_space<vmem>>
        %dma_wait3A_585 = tpu.memref_squeeze %dma_wait3A_584 : memref<1x16xi32, #tpu.memory_space<vmem>> -> memref<16xi32, #tpu.memory_space<vmem>>
        %dma_wait3A_586 = arith.constant 0 : i32
        %dma_wait3A_587 = tpu.memref_slice %arg7[%dma_wait3A_586] : memref<16384xf32, #tpu.memory_space<hbm>> -> memref<16384xf32, #tpu.memory_space<hbm>>
        tpu.wait_indirect_dma semaphore(%arg26 : memref<!tpu.dma_semaphore, #tpu.memory_space<semaphore_mem>>) src(%dma_wait3A_582 : memref<16xf32, #tpu.memory_space<vmem>>) dst(%dma_wait3A_587 : memref<16384xf32, #tpu.memory_space<hbm>>)
        %dma_wait3A_588 = arith.constant 1 : i32
        %dma_wait3A_589 = arith.constant 1 : i32
        %dma_wait3A_590 = arith.constant 0 : i32
        %dma_wait3A_591 = tpu.memref_slice %arg20[%dma_wait3A_588, %dma_wait3A_590] : memref<2x16xf32, #tpu.memory_space<vmem>> -> memref<1x16xf32, #tpu.memory_space<vmem>>
        %dma_wait3A_592 = tpu.memref_squeeze %dma_wait3A_591 : memref<1x16xf32, #tpu.memory_space<vmem>> -> memref<16xf32, #tpu.memory_space<vmem>>
        %dma_wait3A_593 = arith.constant 0 : i32
        %dma_wait3A_594 = tpu.memref_slice %arg17[%dma_wait3A_589, %dma_wait3A_593] : memref<2x16xi32, #tpu.memory_space<vmem>> -> memref<1x16xi32, #tpu.memory_space<vmem>>
        %dma_wait3A_595 = tpu.memref_squeeze %dma_wait3A_594 : memref<1x16xi32, #tpu.memory_space<vmem>> -> memref<16xi32, #tpu.memory_space<vmem>>
        %dma_wait3A_596 = arith.constant 0 : i32
        %dma_wait3A_597 = tpu.memref_slice %arg7[%dma_wait3A_596] : memref<16384xf32, #tpu.memory_space<hbm>> -> memref<16384xf32, #tpu.memory_space<hbm>>
        tpu.wait_indirect_dma semaphore(%arg26 : memref<!tpu.dma_semaphore, #tpu.memory_space<semaphore_mem>>) src(%dma_wait3A_592 : memref<16xf32, #tpu.memory_space<vmem>>) dst(%dma_wait3A_597 : memref<16384xf32, #tpu.memory_space<hbm>>)
      } else {
      }
      %swap3A_434 = arith.constant 1 : i32
      %swap3A_435 = arith.index_cast %swap3A_434 : i32 to index
      %swap3A_436 = arith.constant 0 : index
      %swap3A_437 = tpu.vector_load %arg16[%swap3A_435, %swap3A_436] {strides = array<i32>} : memref<2x16xi32, #tpu.memory_space<vmem>>, vector<1x16xi32>,
      %swap3A_438 = vector.shape_cast %swap3A_437 : vector<1x16xi32> to vector<16xi32>
      %swap3A_439 = vector.shape_cast %get3A_403 : vector<16xi32> to vector<1x16xi32>
      tpu.vector_store %arg16[%swap3A_435, %swap3A_436], %swap3A_439 {strides = array<i32>} : memref<2x16xi32, #tpu.memory_space<vmem>>, vector<1x16xi32>,
      %swap3A_440 = arith.constant 1 : i32
      %swap3A_441 = arith.index_cast %swap3A_440 : i32 to index
      %swap3A_442 = arith.constant 0 : index
      %swap3A_443 = tpu.vector_load %arg17[%swap3A_441, %swap3A_442] {strides = array<i32>} : memref<2x16xi32, #tpu.memory_space<vmem>>, vector<1x16xi32>,
      %swap3A_444 = vector.shape_cast %swap3A_443 : vector<1x16xi32> to vector<16xi32>
      %swap3A_445 = vector.shape_cast %get3A_410 : vector<16xi32> to vector<1x16xi32>
      tpu.vector_store %arg17[%swap3A_441, %swap3A_442], %swap3A_445 {strides = array<i32>} : memref<2x16xi32, #tpu.memory_space<vmem>>, vector<1x16xi32>,
      %add3A_446 = vector.broadcast %add3A_351 : i32 to vector<16xi32>
      %add3A_447 = arith.addi %add3A_446, %iota3A : vector<16xi32>
      %swap3A_448 = arith.constant 1 : i32
      %swap3A_449 = arith.index_cast %swap3A_448 : i32 to index
      %swap3A_450 = arith.constant 0 : index
      %swap3A_451 = tpu.vector_load %arg18[%swap3A_449, %swap3A_450] {strides = array<i32>} : memref<2x16xi32, #tpu.memory_space<vmem>>, vector<1x16xi32>,
      %swap3A_452 = vector.shape_cast %swap3A_451 : vector<1x16xi32> to vector<16xi32>
      %swap3A_453 = vector.shape_cast %add3A_447 : vector<16xi32> to vector<1x16xi32>
      tpu.vector_store %arg18[%swap3A_449, %swap3A_450], %swap3A_453 {strides = array<i32>} : memref<2x16xi32, #tpu.memory_space<vmem>>, vector<1x16xi32>,
      %get3A_454 = arith.constant 1 : i32
      %get3A_455 = arith.constant 0 : i32
      %get3A_456 = arith.index_cast %get3A_454 : i32 to index
      %get3A_457 = arith.index_cast %get3A_455 : i32 to index
      %get3A_458 = arith.constant 0 : index
      %get3A_459 = tpu.vector_load %arg9[%get3A_456, %get3A_457, %get3A_458] {strides = array<i32>} : memref<2x2x16xf32, #tpu.memory_space<vmem>>, vector<1x1x16xf32>,
      %get3A_460 = vector.shape_cast %get3A_459 : vector<1x1x16xf32> to vector<16xf32>
      %swap3A_461 = arith.constant 1 : i32
      %swap3A_462 = arith.index_cast %swap3A_461 : i32 to index
      %swap3A_463 = arith.constant 0 : index
      %swap3A_464 = tpu.vector_load %arg19[%swap3A_462, %swap3A_463] {strides = array<i32>} : memref<2x16xf32, #tpu.memory_space<vmem>>, vector<1x16xf32>,
      %swap3A_465 = vector.shape_cast %swap3A_464 : vector<1x16xf32> to vector<16xf32>
      %swap3A_466 = vector.shape_cast %get3A_460 : vector<16xf32> to vector<1x16xf32>
      tpu.vector_store %arg19[%swap3A_462, %swap3A_463], %swap3A_466 {strides = array<i32>} : memref<2x16xf32, #tpu.memory_space<vmem>>, vector<1x16xf32>,
      %get3A_467 = arith.constant 1 : i32
      %get3A_468 = arith.constant 1 : i32
      %get3A_469 = arith.index_cast %get3A_467 : i32 to index
      %get3A_470 = arith.index_cast %get3A_468 : i32 to index
      %get3A_471 = arith.constant 0 : index
      %get3A_472 = tpu.vector_load %arg9[%get3A_469, %get3A_470, %get3A_471] {strides = array<i32>} : memref<2x2x16xf32, #tpu.memory_space<vmem>>, vector<1x1x16xf32>,
      %get3A_473 = vector.shape_cast %get3A_472 : vector<1x1x16xf32> to vector<16xf32>
      %swap3A_474 = arith.constant 1 : i32
      %swap3A_475 = arith.index_cast %swap3A_474 : i32 to index
      %swap3A_476 = arith.constant 0 : index
      %swap3A_477 = tpu.vector_load %arg20[%swap3A_475, %swap3A_476] {strides = array<i32>} : memref<2x16xf32, #tpu.memory_space<vmem>>, vector<1x16xf32>,
      %swap3A_478 = vector.shape_cast %swap3A_477 : vector<1x16xf32> to vector<16xf32>
      %swap3A_479 = vector.shape_cast %get3A_473 : vector<16xf32> to vector<1x16xf32>
      tpu.vector_store %arg20[%swap3A_475, %swap3A_476], %swap3A_479 {strides = array<i32>} : memref<2x16xf32, #tpu.memory_space<vmem>>, vector<1x16xf32>,
      %dma_start3A_480 = arith.constant 1 : i32
      %dma_start3A_481 = arith.constant 1 : i32
      %dma_start3A_482 = arith.constant 0 : i32
      %dma_start3A_483 = tpu.memref_slice %arg18[%dma_start3A_480, %dma_start3A_482] : memref<2x16xi32, #tpu.memory_space<vmem>> -> memref<1x16xi32, #tpu.memory_space<vmem>>
      %dma_start3A_484 = tpu.memref_squeeze %dma_start3A_483 : memref<1x16xi32, #tpu.memory_space<vmem>> -> memref<16xi32, #tpu.memory_space<vmem>>
      %dma_start3A_485 = arith.constant 0 : i32
      %dma_start3A_486 = tpu.memref_slice %arg16[%dma_start3A_481, %dma_start3A_485] : memref<2x16xi32, #tpu.memory_space<vmem>> -> memref<1x16xi32, #tpu.memory_space<vmem>>
      %dma_start3A_487 = tpu.memref_squeeze %dma_start3A_486 : memref<1x16xi32, #tpu.memory_space<vmem>> -> memref<16xi32, #tpu.memory_space<vmem>>
      %dma_start3A_488 = arith.constant 0 : i32
      %dma_start3A_489 = tpu.memref_slice %arg6[%dma_start3A_488] : memref<16384xi32, #tpu.memory_space<hbm>> -> memref<16384xi32, #tpu.memory_space<hbm>>
      tpu.enqueue_indirect_dma source(%dma_start3A_484 : memref<16xi32, #tpu.memory_space<vmem>>) target(%dma_start3A_489 : memref<16384xi32, #tpu.memory_space<hbm>>) offsets(%dma_start3A_487 : memref<16xi32, #tpu.memory_space<vmem>>) semaphore(%arg26 : memref<!tpu.dma_semaphore, #tpu.memory_space<semaphore_mem>>)
      %dma_start3A_490 = arith.constant 1 : i32
      %dma_start3A_491 = arith.constant 1 : i32
      %dma_start3A_492 = arith.constant 0 : i32
      %dma_start3A_493 = tpu.memref_slice %arg18[%dma_start3A_490, %dma_start3A_492] : memref<2x16xi32, #tpu.memory_space<vmem>> -> memref<1x16xi32, #tpu.memory_space<vmem>>
      %dma_start3A_494 = tpu.memref_squeeze %dma_start3A_493 : memref<1x16xi32, #tpu.memory_space<vmem>> -> memref<16xi32, #tpu.memory_space<vmem>>
      %dma_start3A_495 = arith.constant 0 : i32
      %dma_start3A_496 = tpu.memref_slice %arg17[%dma_start3A_491, %dma_start3A_495] : memref<2x16xi32, #tpu.memory_space<vmem>> -> memref<1x16xi32, #tpu.memory_space<vmem>>
      %dma_start3A_497 = tpu.memref_squeeze %dma_start3A_496 : memref<1x16xi32, #tpu.memory_space<vmem>> -> memref<16xi32, #tpu.memory_space<vmem>>
      %dma_start3A_498 = arith.constant 0 : i32
      %dma_start3A_499 = tpu.memref_slice %arg6[%dma_start3A_498] : memref<16384xi32, #tpu.memory_space<hbm>> -> memref<16384xi32, #tpu.memory_space<hbm>>
      tpu.enqueue_indirect_dma source(%dma_start3A_494 : memref<16xi32, #tpu.memory_space<vmem>>) target(%dma_start3A_499 : memref<16384xi32, #tpu.memory_space<hbm>>) offsets(%dma_start3A_497 : memref<16xi32, #tpu.memory_space<vmem>>) semaphore(%arg26 : memref<!tpu.dma_semaphore, #tpu.memory_space<semaphore_mem>>)
      %dma_start3A_500 = arith.constant 1 : i32
      %dma_start3A_501 = arith.constant 1 : i32
      %dma_start3A_502 = arith.constant 0 : i32
      %dma_start3A_503 = tpu.memref_slice %arg19[%dma_start3A_500, %dma_start3A_502] : memref<2x16xf32, #tpu.memory_space<vmem>> -> memref<1x16xf32, #tpu.memory_space<vmem>>
      %dma_start3A_504 = tpu.memref_squeeze %dma_start3A_503 : memref<1x16xf32, #tpu.memory_space<vmem>> -> memref<16xf32, #tpu.memory_space<vmem>>
      %dma_start3A_505 = arith.constant 0 : i32
      %dma_start3A_506 = tpu.memref_slice %arg16[%dma_start3A_501, %dma_start3A_505] : memref<2x16xi32, #tpu.memory_space<vmem>> -> memref<1x16xi32, #tpu.memory_space<vmem>>
      %dma_start3A_507 = tpu.memref_squeeze %dma_start3A_506 : memref<1x16xi32, #tpu.memory_space<vmem>> -> memref<16xi32, #tpu.memory_space<vmem>>
      %dma_start3A_508 = arith.constant 0 : i32
      %dma_start3A_509 = tpu.memref_slice %arg7[%dma_start3A_508] : memref<16384xf32, #tpu.memory_space<hbm>> -> memref<16384xf32, #tpu.memory_space<hbm>>
      tpu.enqueue_indirect_dma source(%dma_start3A_504 : memref<16xf32, #tpu.memory_space<vmem>>) target(%dma_start3A_509 : memref<16384xf32, #tpu.memory_space<hbm>>) offsets(%dma_start3A_507 : memref<16xi32, #tpu.memory_space<vmem>>) semaphore(%arg26 : memref<!tpu.dma_semaphore, #tpu.memory_space<semaphore_mem>>)
      %dma_start3A_510 = arith.constant 1 : i32
      %dma_start3A_511 = arith.constant 1 : i32
      %dma_start3A_512 = arith.constant 0 : i32
      %dma_start3A_513 = tpu.memref_slice %arg20[%dma_start3A_510, %dma_start3A_512] : memref<2x16xf32, #tpu.memory_space<vmem>> -> memref<1x16xf32, #tpu.memory_space<vmem>>
      %dma_start3A_514 = tpu.memref_squeeze %dma_start3A_513 : memref<1x16xf32, #tpu.memory_space<vmem>> -> memref<16xf32, #tpu.memory_space<vmem>>
      %dma_start3A_515 = arith.constant 0 : i32
      %dma_start3A_516 = tpu.memref_slice %arg17[%dma_start3A_511, %dma_start3A_515] : memref<2x16xi32, #tpu.memory_space<vmem>> -> memref<1x16xi32, #tpu.memory_space<vmem>>
      %dma_start3A_517 = tpu.memref_squeeze %dma_start3A_516 : memref<1x16xi32, #tpu.memory_space<vmem>> -> memref<16xi32, #tpu.memory_space<vmem>>
      %dma_start3A_518 = arith.constant 0 : i32
      %dma_start3A_519 = tpu.memref_slice %arg7[%dma_start3A_518] : memref<16384xf32, #tpu.memory_space<hbm>> -> memref<16384xf32, #tpu.memory_space<hbm>>
      tpu.enqueue_indirect_dma source(%dma_start3A_514 : memref<16xf32, #tpu.memory_space<vmem>>) target(%dma_start3A_519 : memref<16384xf32, #tpu.memory_space<hbm>>) offsets(%dma_start3A_517 : memref<16xi32, #tpu.memory_space<vmem>>) semaphore(%arg26 : memref<!tpu.dma_semaphore, #tpu.memory_space<semaphore_mem>>)
      %ge3A_520 = arith.constant 1 : i32
      %ge3A_521 = arith.cmpi sge, %add3A_348, %ge3A_520 : i32
      %convert_element_type3A_522 = arith.extui %ge3A_521 : i1 to i32
      %cond3A_523 = arith.constant 0 : i32
      %cond3A_524 = arith.cmpi ne, %convert_element_type3A_522, %cond3A_523 : i32
      scf.if %cond3A_524 {
        %dma_wait3A_558 = arith.constant 0 : i32
        %dma_wait3A_559 = arith.constant 2048 : i32
        %dma_wait3A_560 = tpu.memref_slice %arg5[%dma_wait3A_558, %dma_wait3A_559] : memref<16384x4096xf32, #tpu.memory_space<hbm>> -> memref<16384x2048xf32, #tpu.memory_space<hbm>>
        tpu.wait_indirect_dma semaphore(%arg24 : memref<!tpu.dma_semaphore, #tpu.memory_space<semaphore_mem>>) src(%arg11 : memref<16x2048xf32, #tpu.memory_space<vmem>>) dst(%dma_wait3A_560 : memref<16384x2048xf32, #tpu.memory_space<hbm>>)
        %dma_wait3A_561 = arith.constant 0 : i32
        %dma_wait3A_562 = arith.constant 2048 : i32
        %dma_wait3A_563 = tpu.memref_slice %arg5[%dma_wait3A_561, %dma_wait3A_562] : memref<16384x4096xf32, #tpu.memory_space<hbm>> -> memref<16384x2048xf32, #tpu.memory_space<hbm>>
        tpu.wait_indirect_dma semaphore(%arg24 : memref<!tpu.dma_semaphore, #tpu.memory_space<semaphore_mem>>) src(%arg11 : memref<16x2048xf32, #tpu.memory_space<vmem>>) dst(%dma_wait3A_563 : memref<16384x2048xf32, #tpu.memory_space<hbm>>)
      } else {
      }
      %dma_start3A_525 = arith.constant 2048 : i32
      %dma_start3A_526 = tpu.memref_slice %arg2[%add3A_351, %dma_start3A_525] : memref<8192x4096xf32, #tpu.memory_space<hbm>> -> memref<16x2048xf32, #tpu.memory_space<hbm>>
      %dma_start3A_527 = arith.constant 2048 : i32
      %dma_start3A_528 = tpu.memref_slice %arg2[%add3A_351, %dma_start3A_527] : memref<8192x4096xf32, #tpu.memory_space<hbm>> -> memref<16x2048xf32, #tpu.memory_space<hbm>>
      tpu.enqueue_dma source(%dma_start3A_528 : memref<16x2048xf32, #tpu.memory_space<hbm>>) target(%arg11 : memref<16x2048xf32, #tpu.memory_space<vmem>>) target_semaphore(%arg22 : memref<!tpu.dma_semaphore, #tpu.memory_space<semaphore_mem>>)
      %dma_wait3A_529 = arith.constant 2048 : i32
      %dma_wait3A_530 = tpu.memref_slice %arg2[%add3A_351, %dma_wait3A_529] : memref<8192x4096xf32, #tpu.memory_space<hbm>> -> memref<16x2048xf32, #tpu.memory_space<hbm>>
      %dma_wait3A_531 = arith.constant 2048 : i32
      %dma_wait3A_532 = tpu.memref_slice %arg2[%add3A_351, %dma_wait3A_531] : memref<8192x4096xf32, #tpu.memory_space<hbm>> -> memref<16x2048xf32, #tpu.memory_space<hbm>>
      tpu.wait_dma2 semaphore(%arg22 : memref<!tpu.dma_semaphore, #tpu.memory_space<semaphore_mem>>) src(%dma_wait3A_532 : memref<16x2048xf32, #tpu.memory_space<hbm>>) dst(%arg11 : memref<16x2048xf32, #tpu.memory_space<vmem>>)
      %swap3A_533 = arith.constant 0 : index
      %swap3A_534 = tpu.vector_load %arg14[%swap3A_533] {strides = array<i32>} : memref<16xi32, #tpu.memory_space<vmem>>, vector<16xi32>,
      %swap3A_535 = vector.shape_cast %swap3A_534 : vector<16xi32> to vector<16xi32>
      %swap3A_536 = vector.shape_cast %get3A_403 : vector<16xi32> to vector<16xi32>
      tpu.vector_store %arg14[%swap3A_533], %swap3A_536 {strides = array<i32>} : memref<16xi32, #tpu.memory_space<vmem>>, vector<16xi32>,
      %swap3A_537 = arith.constant 0 : index
      %swap3A_538 = tpu.vector_load %arg15[%swap3A_537] {strides = array<i32>} : memref<16xi32, #tpu.memory_space<vmem>>, vector<16xi32>,
      %swap3A_539 = vector.shape_cast %swap3A_538 : vector<16xi32> to vector<16xi32>
      %swap3A_540 = vector.shape_cast %get3A_410 : vector<16xi32> to vector<16xi32>
      tpu.vector_store %arg15[%swap3A_537], %swap3A_540 {strides = array<i32>} : memref<16xi32, #tpu.memory_space<vmem>>, vector<16xi32>,
      %dma_start3A_541 = arith.constant 0 : i32
      %dma_start3A_542 = arith.constant 2048 : i32
      %dma_start3A_543 = tpu.memref_slice %arg5[%dma_start3A_541, %dma_start3A_542] : memref<16384x4096xf32, #tpu.memory_space<hbm>> -> memref<16384x2048xf32, #tpu.memory_space<hbm>>
      tpu.enqueue_indirect_dma source(%arg11 : memref<16x2048xf32, #tpu.memory_space<vmem>>) target(%dma_start3A_543 : memref<16384x2048xf32, #tpu.memory_space<hbm>>) offsets(%arg14 : memref<16xi32, #tpu.memory_space<vmem>>) semaphore(%arg24 : memref<!tpu.dma_semaphore, #tpu.memory_space<semaphore_mem>>)
      %dma_start3A_544 = arith.constant 0 : i32
      %dma_start3A_545 = arith.constant 2048 : i32
      %dma_start3A_546 = tpu.memref_slice %arg5[%dma_start3A_544, %dma_start3A_545] : memref<16384x4096xf32, #tpu.memory_space<hbm>> -> memref<16384x2048xf32, #tpu.memory_space<hbm>>
      tpu.enqueue_indirect_dma source(%arg11 : memref<16x2048xf32, #tpu.memory_space<vmem>>) target(%dma_start3A_546 : memref<16384x2048xf32, #tpu.memory_space<hbm>>) offsets(%arg15 : memref<16xi32, #tpu.memory_space<vmem>>) semaphore(%arg24 : memref<!tpu.dma_semaphore, #tpu.memory_space<semaphore_mem>>)
      %dma_wait3A_547 = arith.constant 0 : i32
      %dma_wait3A_548 = arith.constant 0 : i32
      %dma_wait3A_549 = tpu.memref_slice %arg5[%dma_wait3A_547, %dma_wait3A_548] : memref<16384x4096xf32, #tpu.memory_space<hbm>> -> memref<16384x2048xf32, #tpu.memory_space<hbm>>
      tpu.wait_indirect_dma semaphore(%arg23 : memref<!tpu.dma_semaphore, #tpu.memory_space<semaphore_mem>>) src(%arg10 : memref<16x2048xf32, #tpu.memory_space<vmem>>) dst(%dma_wait3A_549 : memref<16384x2048xf32, #tpu.memory_space<hbm>>)
      %dma_wait3A_550 = arith.constant 0 : i32
      %dma_wait3A_551 = arith.constant 0 : i32
      %dma_wait3A_552 = tpu.memref_slice %arg5[%dma_wait3A_550, %dma_wait3A_551] : memref<16384x4096xf32, #tpu.memory_space<hbm>> -> memref<16384x2048xf32, #tpu.memory_space<hbm>>
      tpu.wait_indirect_dma semaphore(%arg23 : memref<!tpu.dma_semaphore, #tpu.memory_space<semaphore_mem>>) src(%arg10 : memref<16x2048xf32, #tpu.memory_space<vmem>>) dst(%dma_wait3A_552 : memref<16384x2048xf32, #tpu.memory_space<hbm>>)
      %lt3A_553 = arith.constant 15 : i32
      %lt3A_554 = arith.cmpi slt, %add3A_348, %lt3A_553 : i32
      %convert_element_type3A_555 = arith.extui %lt3A_554 : i1 to i32
      %cond3A_556 = arith.constant 0 : i32
      %cond3A_557 = arith.cmpi ne, %convert_element_type3A_555, %cond3A_556 : i32
      scf.if %cond3A_557 {
        %add3A_558 = arith.constant 16 : i32
        %add3A_559 = arith.addi %add3A_351, %add3A_558 : i32
        %dma_start3A_560 = arith.constant 0 : i32
        %dma_start3A_561 = tpu.memref_slice %arg2[%add3A_559, %dma_start3A_560] : memref<8192x4096xf32, #tpu.memory_space<hbm>> -> memref<16x2048xf32, #tpu.memory_space<hbm>>
        %dma_start3A_562 = arith.constant 0 : i32
        %dma_start3A_563 = tpu.memref_slice %arg2[%add3A_559, %dma_start3A_562] : memref<8192x4096xf32, #tpu.memory_space<hbm>> -> memref<16x2048xf32, #tpu.memory_space<hbm>>
        tpu.enqueue_dma source(%dma_start3A_563 : memref<16x2048xf32, #tpu.memory_space<hbm>>) target(%arg10 : memref<16x2048xf32, #tpu.memory_space<vmem>>) target_semaphore(%arg21 : memref<!tpu.dma_semaphore, #tpu.memory_space<semaphore_mem>>)
      } else {
      }
    }
    %scan3A_51 = arith.constant 8 : i32
    %dma_wait3A = arith.constant 0 : i32
    %dma_wait3A_52 = arith.constant 2048 : i32
    %dma_wait3A_53 = tpu.memref_slice %arg5[%dma_wait3A, %dma_wait3A_52] : memref<16384x4096xf32, #tpu.memory_space<hbm>> -> memref<16384x2048xf32, #tpu.memory_space<hbm>>
    tpu.wait_indirect_dma semaphore(%arg24 : memref<!tpu.dma_semaphore, #tpu.memory_space<semaphore_mem>>) src(%arg11 : memref<16x2048xf32, #tpu.memory_space<vmem>>) dst(%dma_wait3A_53 : memref<16384x2048xf32, #tpu.memory_space<hbm>>)
    %dma_wait3A_54 = arith.constant 0 : i32
    %dma_wait3A_55 = arith.constant 2048 : i32
    %dma_wait3A_56 = tpu.memref_slice %arg5[%dma_wait3A_54, %dma_wait3A_55] : memref<16384x4096xf32, #tpu.memory_space<hbm>> -> memref<16384x2048xf32, #tpu.memory_space<hbm>>
    tpu.wait_indirect_dma semaphore(%arg24 : memref<!tpu.dma_semaphore, #tpu.memory_space<semaphore_mem>>) src(%arg11 : memref<16x2048xf32, #tpu.memory_space<vmem>>) dst(%dma_wait3A_56 : memref<16384x2048xf32, #tpu.memory_space<hbm>>)
    %dma_wait3A_57 = arith.constant 0 : i32
    %dma_wait3A_58 = arith.constant 0 : i32
    %dma_wait3A_59 = arith.constant 0 : i32
    %dma_wait3A_60 = tpu.memref_slice %arg18[%dma_wait3A_57, %dma_wait3A_59] : memref<2x16xi32, #tpu.memory_space<vmem>> -> memref<1x16xi32, #tpu.memory_space<vmem>>
    %dma_wait3A_61 = tpu.memref_squeeze %dma_wait3A_60 : memref<1x16xi32, #tpu.memory_space<vmem>> -> memref<16xi32, #tpu.memory_space<vmem>>
    %dma_wait3A_62 = arith.constant 0 : i32
    %dma_wait3A_63 = tpu.memref_slice %arg16[%dma_wait3A_58, %dma_wait3A_62] : memref<2x16xi32, #tpu.memory_space<vmem>> -> memref<1x16xi32, #tpu.memory_space<vmem>>
    %dma_wait3A_64 = tpu.memref_squeeze %dma_wait3A_63 : memref<1x16xi32, #tpu.memory_space<vmem>> -> memref<16xi32, #tpu.memory_space<vmem>>
    %dma_wait3A_65 = arith.constant 0 : i32
    %dma_wait3A_66 = tpu.memref_slice %arg6[%dma_wait3A_65] : memref<16384xi32, #tpu.memory_space<hbm>> -> memref<16384xi32, #tpu.memory_space<hbm>>
    tpu.wait_indirect_dma semaphore(%arg25 : memref<!tpu.dma_semaphore, #tpu.memory_space<semaphore_mem>>) src(%dma_wait3A_61 : memref<16xi32, #tpu.memory_space<vmem>>) dst(%dma_wait3A_66 : memref<16384xi32, #tpu.memory_space<hbm>>)
    %dma_wait3A_67 = arith.constant 0 : i32
    %dma_wait3A_68 = arith.constant 0 : i32
    %dma_wait3A_69 = arith.constant 0 : i32
    %dma_wait3A_70 = tpu.memref_slice %arg18[%dma_wait3A_67, %dma_wait3A_69] : memref<2x16xi32, #tpu.memory_space<vmem>> -> memref<1x16xi32, #tpu.memory_space<vmem>>
    %dma_wait3A_71 = tpu.memref_squeeze %dma_wait3A_70 : memref<1x16xi32, #tpu.memory_space<vmem>> -> memref<16xi32, #tpu.memory_space<vmem>>
    %dma_wait3A_72 = arith.constant 0 : i32
    %dma_wait3A_73 = tpu.memref_slice %arg17[%dma_wait3A_68, %dma_wait3A_72] : memref<2x16xi32, #tpu.memory_space<vmem>> -> memref<1x16xi32, #tpu.memory_space<vmem>>
    %dma_wait3A_74 = tpu.memref_squeeze %dma_wait3A_73 : memref<1x16xi32, #tpu.memory_space<vmem>> -> memref<16xi32, #tpu.memory_space<vmem>>
    %dma_wait3A_75 = arith.constant 0 : i32
    %dma_wait3A_76 = tpu.memref_slice %arg6[%dma_wait3A_75] : memref<16384xi32, #tpu.memory_space<hbm>> -> memref<16384xi32, #tpu.memory_space<hbm>>
    tpu.wait_indirect_dma semaphore(%arg25 : memref<!tpu.dma_semaphore, #tpu.memory_space<semaphore_mem>>) src(%dma_wait3A_71 : memref<16xi32, #tpu.memory_space<vmem>>) dst(%dma_wait3A_76 : memref<16384xi32, #tpu.memory_space<hbm>>)
    %dma_wait3A_77 = arith.constant 0 : i32
    %dma_wait3A_78 = arith.constant 0 : i32
    %dma_wait3A_79 = arith.constant 0 : i32
    %dma_wait3A_80 = tpu.memref_slice %arg19[%dma_wait3A_77, %dma_wait3A_79] : memref<2x16xf32, #tpu.memory_space<vmem>> -> memref<1x16xf32, #tpu.memory_space<vmem>>
    %dma_wait3A_81 = tpu.memref_squeeze %dma_wait3A_80 : memref<1x16xf32, #tpu.memory_space<vmem>> -> memref<16xf32, #tpu.memory_space<vmem>>
    %dma_wait3A_82 = arith.constant 0 : i32
    %dma_wait3A_83 = tpu.memref_slice %arg16[%dma_wait3A_78, %dma_wait3A_82] : memref<2x16xi32, #tpu.memory_space<vmem>> -> memref<1x16xi32, #tpu.memory_space<vmem>>
    %dma_wait3A_84 = tpu.memref_squeeze %dma_wait3A_83 : memref<1x16xi32, #tpu.memory_space<vmem>> -> memref<16xi32, #tpu.memory_space<vmem>>
    %dma_wait3A_85 = arith.constant 0 : i32
    %dma_wait3A_86 = tpu.memref_slice %arg7[%dma_wait3A_85] : memref<16384xf32, #tpu.memory_space<hbm>> -> memref<16384xf32, #tpu.memory_space<hbm>>
    tpu.wait_indirect_dma semaphore(%arg25 : memref<!tpu.dma_semaphore, #tpu.memory_space<semaphore_mem>>) src(%dma_wait3A_81 : memref<16xf32, #tpu.memory_space<vmem>>) dst(%dma_wait3A_86 : memref<16384xf32, #tpu.memory_space<hbm>>)
    %dma_wait3A_87 = arith.constant 0 : i32
    %dma_wait3A_88 = arith.constant 0 : i32
    %dma_wait3A_89 = arith.constant 0 : i32
    %dma_wait3A_90 = tpu.memref_slice %arg20[%dma_wait3A_87, %dma_wait3A_89] : memref<2x16xf32, #tpu.memory_space<vmem>> -> memref<1x16xf32, #tpu.memory_space<vmem>>
    %dma_wait3A_91 = tpu.memref_squeeze %dma_wait3A_90 : memref<1x16xf32, #tpu.memory_space<vmem>> -> memref<16xf32, #tpu.memory_space<vmem>>
    %dma_wait3A_92 = arith.constant 0 : i32
    %dma_wait3A_93 = tpu.memref_slice %arg17[%dma_wait3A_88, %dma_wait3A_92] : memref<2x16xi32, #tpu.memory_space<vmem>> -> memref<1x16xi32, #tpu.memory_space<vmem>>
    %dma_wait3A_94 = tpu.memref_squeeze %dma_wait3A_93 : memref<1x16xi32, #tpu.memory_space<vmem>> -> memref<16xi32, #tpu.memory_space<vmem>>
    %dma_wait3A_95 = arith.constant 0 : i32
    %dma_wait3A_96 = tpu.memref_slice %arg7[%dma_wait3A_95] : memref<16384xf32, #tpu.memory_space<hbm>> -> memref<16384xf32, #tpu.memory_space<hbm>>
    tpu.wait_indirect_dma semaphore(%arg25 : memref<!tpu.dma_semaphore, #tpu.memory_space<semaphore_mem>>) src(%dma_wait3A_91 : memref<16xf32, #tpu.memory_space<vmem>>) dst(%dma_wait3A_96 : memref<16384xf32, #tpu.memory_space<hbm>>)
    %dma_wait3A_97 = arith.constant 1 : i32
    %dma_wait3A_98 = arith.constant 1 : i32
    %dma_wait3A_99 = arith.constant 0 : i32
    %dma_wait3A_100 = tpu.memref_slice %arg18[%dma_wait3A_97, %dma_wait3A_99] : memref<2x16xi32, #tpu.memory_space<vmem>> -> memref<1x16xi32, #tpu.memory_space<vmem>>
    %dma_wait3A_101 = tpu.memref_squeeze %dma_wait3A_100 : memref<1x16xi32, #tpu.memory_space<vmem>> -> memref<16xi32, #tpu.memory_space<vmem>>
    %dma_wait3A_102 = arith.constant 0 : i32
    %dma_wait3A_103 = tpu.memref_slice %arg16[%dma_wait3A_98, %dma_wait3A_102] : memref<2x16xi32, #tpu.memory_space<vmem>> -> memref<1x16xi32, #tpu.memory_space<vmem>>
    %dma_wait3A_104 = tpu.memref_squeeze %dma_wait3A_103 : memref<1x16xi32, #tpu.memory_space<vmem>> -> memref<16xi32, #tpu.memory_space<vmem>>
    %dma_wait3A_105 = arith.constant 0 : i32
    %dma_wait3A_106 = tpu.memref_slice %arg6[%dma_wait3A_105] : memref<16384xi32, #tpu.memory_space<hbm>> -> memref<16384xi32, #tpu.memory_space<hbm>>
    tpu.wait_indirect_dma semaphore(%arg26 : memref<!tpu.dma_semaphore, #tpu.memory_space<semaphore_mem>>) src(%dma_wait3A_101 : memref<16xi32, #tpu.memory_space<vmem>>) dst(%dma_wait3A_106 : memref<16384xi32, #tpu.memory_space<hbm>>)
    %dma_wait3A_107 = arith.constant 1 : i32
    %dma_wait3A_108 = arith.constant 1 : i32
    %dma_wait3A_109 = arith.constant 0 : i32
    %dma_wait3A_110 = tpu.memref_slice %arg18[%dma_wait3A_107, %dma_wait3A_109] : memref<2x16xi32, #tpu.memory_space<vmem>> -> memref<1x16xi32, #tpu.memory_space<vmem>>
    %dma_wait3A_111 = tpu.memref_squeeze %dma_wait3A_110 : memref<1x16xi32, #tpu.memory_space<vmem>> -> memref<16xi32, #tpu.memory_space<vmem>>
    %dma_wait3A_112 = arith.constant 0 : i32
    %dma_wait3A_113 = tpu.memref_slice %arg17[%dma_wait3A_108, %dma_wait3A_112] : memref<2x16xi32, #tpu.memory_space<vmem>> -> memref<1x16xi32, #tpu.memory_space<vmem>>
    %dma_wait3A_114 = tpu.memref_squeeze %dma_wait3A_113 : memref<1x16xi32, #tpu.memory_space<vmem>> -> memref<16xi32, #tpu.memory_space<vmem>>
    %dma_wait3A_115 = arith.constant 0 : i32
    %dma_wait3A_116 = tpu.memref_slice %arg6[%dma_wait3A_115] : memref<16384xi32, #tpu.memory_space<hbm>> -> memref<16384xi32, #tpu.memory_space<hbm>>
    tpu.wait_indirect_dma semaphore(%arg26 : memref<!tpu.dma_semaphore, #tpu.memory_space<semaphore_mem>>) src(%dma_wait3A_111 : memref<16xi32, #tpu.memory_space<vmem>>) dst(%dma_wait3A_116 : memref<16384xi32, #tpu.memory_space<hbm>>)
    %dma_wait3A_117 = arith.constant 1 : i32
    %dma_wait3A_118 = arith.constant 1 : i32
    %dma_wait3A_119 = arith.constant 0 : i32
    %dma_wait3A_120 = tpu.memref_slice %arg19[%dma_wait3A_117, %dma_wait3A_119] : memref<2x16xf32, #tpu.memory_space<vmem>> -> memref<1x16xf32, #tpu.memory_space<vmem>>
    %dma_wait3A_121 = tpu.memref_squeeze %dma_wait3A_120 : memref<1x16xf32, #tpu.memory_space<vmem>> -> memref<16xf32, #tpu.memory_space<vmem>>
    %dma_wait3A_122 = arith.constant 0 : i32
    %dma_wait3A_123 = tpu.memref_slice %arg16[%dma_wait3A_118, %dma_wait3A_122] : memref<2x16xi32, #tpu.memory_space<vmem>> -> memref<1x16xi32, #tpu.memory_space<vmem>>
    %dma_wait3A_124 = tpu.memref_squeeze %dma_wait3A_123 : memref<1x16xi32, #tpu.memory_space<vmem>> -> memref<16xi32, #tpu.memory_space<vmem>>
    %dma_wait3A_125 = arith.constant 0 : i32
    %dma_wait3A_126 = tpu.memref_slice %arg7[%dma_wait3A_125] : memref<16384xf32, #tpu.memory_space<hbm>> -> memref<16384xf32, #tpu.memory_space<hbm>>
    tpu.wait_indirect_dma semaphore(%arg26 : memref<!tpu.dma_semaphore, #tpu.memory_space<semaphore_mem>>) src(%dma_wait3A_121 : memref<16xf32, #tpu.memory_space<vmem>>) dst(%dma_wait3A_126 : memref<16384xf32, #tpu.memory_space<hbm>>)
    %dma_wait3A_127 = arith.constant 1 : i32
    %dma_wait3A_128 = arith.constant 1 : i32
    %dma_wait3A_129 = arith.constant 0 : i32
    %dma_wait3A_130 = tpu.memref_slice %arg20[%dma_wait3A_127, %dma_wait3A_129] : memref<2x16xf32, #tpu.memory_space<vmem>> -> memref<1x16xf32, #tpu.memory_space<vmem>>
    %dma_wait3A_131 = tpu.memref_squeeze %dma_wait3A_130 : memref<1x16xf32, #tpu.memory_space<vmem>> -> memref<16xf32, #tpu.memory_space<vmem>>
    %dma_wait3A_132 = arith.constant 0 : i32
    %dma_wait3A_133 = tpu.memref_slice %arg17[%dma_wait3A_128, %dma_wait3A_132] : memref<2x16xi32, #tpu.memory_space<vmem>> -> memref<1x16xi32, #tpu.memory_space<vmem>>
    %dma_wait3A_134 = tpu.memref_squeeze %dma_wait3A_133 : memref<1x16xi32, #tpu.memory_space<vmem>> -> memref<16xi32, #tpu.memory_space<vmem>>
    %dma_wait3A_135 = arith.constant 0 : i32
    %dma_wait3A_136 = tpu.memref_slice %arg7[%dma_wait3A_135] : memref<16384xf32, #tpu.memory_space<hbm>> -> memref<16384xf32, #tpu.memory_space<hbm>>
    tpu.wait_indirect_dma semaphore(%arg26 : memref<!tpu.dma_semaphore, #tpu.memory_space<semaphore_mem>>) src(%dma_wait3A_131 : memref<16xf32, #tpu.memory_space<vmem>>) dst(%dma_wait3A_136 : memref<16384xf32, #tpu.memory_space<hbm>>)
    return
  }
}

module attributes {stable_mosaic.version = 14 : i64} {
  func.func @_router_block(%arg0: i32, %arg1: memref<512x4096xf32, #tpu.memory_space<vmem>>, %arg2: memref<64x4096xf32, #tpu.memory_space<vmem>>, %arg3: memref<8x2048xi32, #tpu.memory_space<vmem>>, %arg4: memref<8x128xf32, #tpu.memory_space<vmem>>, %arg5: memref<8192x128xi32, #tpu.memory_space<vmem>>, %arg6: memref<8192x128xf32, #tpu.memory_space<vmem>>, %arg7: memref<8x128xf32, #tpu.memory_space<vmem>>, %arg8: memref<8x128xf32, #tpu.memory_space<vmem>>) attributes {dimension_semantics = [#tpu.dimension_semantics<arbitrary>], iteration_bounds = array<i64: 20>, scalar_prefetch = 0 : i64, scratch_operands = 4 : i64, tpu.core_type = #tpu.core_type<tc>, window_params = [{transform_indices = @transform_0, window_bounds = array<i64: 512, 4096>}, {pipeline_mode = #tpu.pipeline_mode<synchronous>, transform_indices = @transform_1, window_bounds = array<i64: 64, 4096>}, {transform_indices = @transform_2, window_bounds = array<i64: 8, 2048>}, {pipeline_mode = #tpu.pipeline_mode<synchronous>, transform_indices = @transform_3, window_bounds = array<i64: 8, 128>}]} {
    %eq3A = arith.constant 0 : i32
    %eq3A_0 = arith.cmpi eq, %arg0, %eq3A : i32
    %convert_element_type3A = arith.extui %eq3A_0 : i1 to i32
    %cond3A = arith.constant 0 : i32
    %cond3A_1 = arith.cmpi ne, %convert_element_type3A, %cond3A : i32
    scf.if %cond3A_1 {
      %broadcast_in_dim3A = arith.constant 0.000000e+00 : f32
      %broadcast_in_dim3A_10 = vector.broadcast %broadcast_in_dim3A : f32 to vector<8x128xf32>
      %swap3A = arith.constant 0 : index
      %swap3A_11 = arith.constant 0 : index
      %swap3A_12 = vector.load %arg8[%swap3A, %swap3A_11] : memref<8x128xf32, #tpu.memory_space<vmem>>, vector<8x128xf32>
      tpu.vector_store %arg8[%swap3A, %swap3A_11], %broadcast_in_dim3A_10 {strides = array<i32>} : memref<8x128xf32, #tpu.memory_space<vmem>>, vector<8x128xf32>,
    } else {
    }
    %lt3A = arith.constant 16 : i32
    %lt3A_2 = arith.cmpi slt, %arg0, %lt3A : i32
    %convert_element_type3A_3 = arith.extui %lt3A_2 : i1 to i32
    %cond3A_4 = arith.constant 0 : i32
    %cond3A_5 = arith.cmpi ne, %convert_element_type3A_3, %cond3A_4 : i32
    scf.if %cond3A_5 {
      %get3A = arith.constant 0 : index
      %get3A_10 = arith.constant 0 : index
      %get3A_11 = vector.load %arg1[%get3A, %get3A_10] : memref<512x4096xf32, #tpu.memory_space<vmem>>, vector<512x4096xf32>
      %get3A_12 = arith.constant 0 : index
      %get3A_13 = arith.constant 0 : index
      %get3A_14 = vector.load %arg2[%get3A_12, %get3A_13] : memref<64x4096xf32, #tpu.memory_space<vmem>>, vector<64x4096xf32>
      %dot_general3A = arith.constant dense<0.000000e+00> : vector<512x64xf32>
      %dot_general3A_15 = tpu.matmul %get3A_11, %get3A_14, %dot_general3A {dimension_numbers = #tpu.dot_dimension_numbers<[1], [1], [0], [0], [0, 0, 1, 0], [], []>, transpose_lhs_hint = false} : vector<512x4096xf32>, vector<64x4096xf32>, vector<512x64xf32> -> vector<512x64xf32>
      %iota3A = tpu.iota {dimensions = array<i32: 1>} : vector<512x64xi32>
      %reduce_max3A = arith.constant dense<0xFF800000> : vector<512xf32>
      %reduce_max3A_16 = vector.multi_reduction <maximumf>, %dot_general3A_15, %reduce_max3A [1] : vector<512x64xf32> to vector<512xf32>
      %broadcast_in_dim3A = vector.shape_cast %reduce_max3A_16 : vector<512xf32> to vector<512x1xf32>
      %eq3A_17 = vector.broadcast %broadcast_in_dim3A : vector<512x1xf32> to vector<512x64xf32>
      %eq3A_18 = arith.cmpf oeq, %dot_general3A_15, %eq3A_17 : vector<512x64xf32>
      %jit3A = arith.constant 64 : i32
      %broadcast_in_dim3A_19 = vector.broadcast %jit3A : i32 to vector<512x64xi32>
      %select_n3A = arith.select %eq3A_18, %iota3A, %broadcast_in_dim3A_19 : vector<512x64xi1>, vector<512x64xi32>
      %reduce_min3A = arith.constant dense<2147483647> : vector<512xi32>
      %reduce_min3A_20 = vector.multi_reduction <minsi>, %select_n3A, %reduce_min3A [1] : vector<512x64xi32> to vector<512xi32>
      %broadcast_in_dim3A_21 = vector.shape_cast %reduce_min3A_20 : vector<512xi32> to vector<512x1xi32>
      %eq3A_22 = vector.broadcast %broadcast_in_dim3A_21 : vector<512x1xi32> to vector<512x64xi32>
      %eq3A_23 = arith.cmpi eq, %iota3A, %eq3A_22 : vector<512x64xi32>
      %jit3A_24 = arith.constant 0xFF800000 : f32
      %broadcast_in_dim3A_25 = vector.broadcast %jit3A_24 : f32 to vector<512x64xf32>
      %select_n3A_26 = arith.select %eq3A_23, %broadcast_in_dim3A_25, %dot_general3A_15 : vector<512x64xi1>, vector<512x64xf32>
      %reduce_max3A_27 = arith.constant dense<0xFF800000> : vector<512xf32>
      %reduce_max3A_28 = vector.multi_reduction <maximumf>, %select_n3A_26, %reduce_max3A_27 [1] : vector<512x64xf32> to vector<512xf32>
      %broadcast_in_dim3A_29 = vector.shape_cast %reduce_max3A_28 : vector<512xf32> to vector<512x1xf32>
      %eq3A_30 = vector.broadcast %broadcast_in_dim3A_29 : vector<512x1xf32> to vector<512x64xf32>
      %eq3A_31 = arith.cmpf oeq, %select_n3A_26, %eq3A_30 : vector<512x64xf32>
      %jit3A_32 = arith.constant 64 : i32
      %broadcast_in_dim3A_33 = vector.broadcast %jit3A_32 : i32 to vector<512x64xi32>
      %select_n3A_34 = arith.select %eq3A_31, %iota3A, %broadcast_in_dim3A_33 : vector<512x64xi1>, vector<512x64xi32>
      %reduce_min3A_35 = arith.constant dense<2147483647> : vector<512xi32>
      %reduce_min3A_36 = vector.multi_reduction <minsi>, %select_n3A_34, %reduce_min3A_35 [1] : vector<512x64xi32> to vector<512xi32>
      %broadcast_in_dim3A_37 = vector.shape_cast %reduce_min3A_36 : vector<512xi32> to vector<512x1xi32>
      %eq3A_38 = vector.broadcast %broadcast_in_dim3A_37 : vector<512x1xi32> to vector<512x64xi32>
      %eq3A_39 = arith.cmpi eq, %iota3A, %eq3A_38 : vector<512x64xi32>
      %sub3A = arith.subf %broadcast_in_dim3A_29, %broadcast_in_dim3A : vector<512x1xf32>
      %exp3A = math.exp %sub3A : vector<512x1xf32>
      %add3A = arith.constant 1.000000e+00 : f32
      %add3A_40 = vector.broadcast %add3A : f32 to vector<512x1xf32>
      %add3A_41 = arith.addf %add3A_40, %exp3A : vector<512x1xf32>
      %div3A = arith.constant 1.000000e+00 : f32
      %div3A_42 = vector.broadcast %div3A : f32 to vector<512x1xf32>
      %div3A_43 = arith.divf %div3A_42, %add3A_41 : vector<512x1xf32>
      %add3A_44 = arith.constant 1.000000e+00 : f32
      %add3A_45 = vector.broadcast %add3A_44 : f32 to vector<512x1xf32>
      %add3A_46 = arith.addf %add3A_45, %exp3A : vector<512x1xf32>
      %div3A_47 = arith.divf %exp3A, %add3A_46 : vector<512x1xf32>
      %convert_element_type3A_48 = arith.extui %eq3A_23 : vector<512x64xi1> to vector<512x64xi32>
      %convert_element_type3A_49 = arith.sitofp %convert_element_type3A_48 : vector<512x64xi32> to vector<512x64xf32>
      %convert_element_type3A_50 = arith.extui %eq3A_39 : vector<512x64xi1> to vector<512x64xi32>
      %convert_element_type3A_51 = arith.sitofp %convert_element_type3A_50 : vector<512x64xi32> to vector<512x64xf32>
      %add3A_52 = arith.addf %convert_element_type3A_49, %convert_element_type3A_51 : vector<512x64xf32>
      %iota3A_53 = tpu.iota {dimensions = array<i32: 0>} : vector<512x512xi32>
      %iota3A_54 = tpu.iota {dimensions = array<i32: 1>} : vector<512x512xi32>
      %ge3A_55 = arith.cmpi sge, %iota3A_53, %iota3A_54 : vector<512x512xi32>
      %convert_element_type3A_56 = arith.extui %ge3A_55 : vector<512x512xi1> to vector<512x512xi32>
      %convert_element_type3A_57 = arith.sitofp %convert_element_type3A_56 : vector<512x512xi32> to vector<512x512xf32>
      %dot_general3A_58 = arith.constant dense<0.000000e+00> : vector<512x64xf32>
      %dot_general3A_59 = tpu.matmul %convert_element_type3A_57, %add3A_52, %dot_general3A_58 {dimension_numbers = #tpu.dot_dimension_numbers<[1], [0], [0], [1], [0, 0, 1, 1], [], []>, transpose_lhs_hint = false} : vector<512x512xf32>, vector<512x64xf32>, vector<512x64xf32> -> vector<512x64xf32>
      %sub3A_60 = arith.subf %dot_general3A_59, %add3A_52 : vector<512x64xf32>
      %get3A_61 = arith.constant 0 : index
      %get3A_62 = arith.constant 0 : index
      %get3A_63 = vector.load %arg8[%get3A_61, %get3A_62] : memref<8x128xf32, #tpu.memory_space<vmem>>, vector<1x64xf32>
      %add3A_64 = vector.broadcast %get3A_63 : vector<1x64xf32> to vector<512x64xf32>
      %add3A_65 = arith.addf %sub3A_60, %add3A_64 : vector<512x64xf32>
      %jit3A_66 = arith.constant 0.000000e+00 : f32
      %broadcast_in_dim3A_67 = vector.broadcast %jit3A_66 : f32 to vector<512x64xf32>
      %select_n3A_68 = arith.select %eq3A_23, %add3A_65, %broadcast_in_dim3A_67 : vector<512x64xi1>, vector<512x64xf32>
      %reduce_sum3A = arith.constant dense<0.000000e+00> : vector<512xf32>
      %reduce_sum3A_69 = vector.multi_reduction <add>, %select_n3A_68, %reduce_sum3A [1] : vector<512x64xf32> to vector<512xf32>
      %broadcast_in_dim3A_70 = vector.shape_cast %reduce_sum3A_69 : vector<512xf32> to vector<512x1xf32>
      %jit3A_71 = arith.constant 0.000000e+00 : f32
      %broadcast_in_dim3A_72 = vector.broadcast %jit3A_71 : f32 to vector<512x64xf32>
      %select_n3A_73 = arith.select %eq3A_39, %add3A_65, %broadcast_in_dim3A_72 : vector<512x64xi1>, vector<512x64xf32>
      %reduce_sum3A_74 = arith.constant dense<0.000000e+00> : vector<512xf32>
      %reduce_sum3A_75 = vector.multi_reduction <add>, %select_n3A_73, %reduce_sum3A_74 [1] : vector<512x64xf32> to vector<512xf32>
      %broadcast_in_dim3A_76 = vector.shape_cast %reduce_sum3A_75 : vector<512xf32> to vector<512x1xf32>
      %slice3A = vector.extract_strided_slice %dot_general3A_59 {offsets = [511, 0], sizes = [1, 64], strides = [1, 1]} : vector<512x64xf32> to vector<1x64xf32>
      %add3A_77 = arith.addf %get3A_63, %slice3A : vector<1x64xf32>
      %swap3A = arith.constant 0 : index
      %swap3A_78 = arith.constant 0 : index
      %swap3A_79 = vector.load %arg8[%swap3A, %swap3A_78] : memref<8x128xf32, #tpu.memory_space<vmem>>, vector<1x64xf32>
      tpu.vector_store %arg8[%swap3A, %swap3A_78], %add3A_77 {strides = array<i32>} : memref<8x128xf32, #tpu.memory_space<vmem>>, vector<1x64xf32>,
      %broadcast_in_dim3A_80 = arith.constant 0 : i32
      %broadcast_in_dim3A_81 = vector.broadcast %broadcast_in_dim3A_80 : i32 to vector<512x124xi32>
      %convert_element_type3A_82 = arith.fptosi %broadcast_in_dim3A_70 : vector<512x1xf32> to vector<512x1xi32>
      %convert_element_type3A_83 = arith.fptosi %broadcast_in_dim3A_76 : vector<512x1xf32> to vector<512x1xi32>
      %concatenate3A = tpu.concatenate %broadcast_in_dim3A_21, %broadcast_in_dim3A_37, %convert_element_type3A_82, %convert_element_type3A_83, %broadcast_in_dim3A_81 in 1 : vector<512x1xi32>, vector<512x1xi32>, vector<512x1xi32>, vector<512x1xi32>, vector<512x124xi32> -> vector<512x128xi32>
      %mul3A = arith.constant 512 : i32
      %mul3A_84 = arith.muli %arg0, %mul3A : i32
      %swap3A_85 = arith.index_cast %mul3A_84 : i32 to index
      %swap3A_86 = arith.constant 0 : index
      %swap3A_87 = vector.load %arg5[%swap3A_85, %swap3A_86] : memref<8192x128xi32, #tpu.memory_space<vmem>>, vector<512x128xi32>
      tpu.vector_store %arg5[%swap3A_85, %swap3A_86], %concatenate3A {strides = array<i32>} : memref<8192x128xi32, #tpu.memory_space<vmem>>, vector<512x128xi32>,
      %broadcast_in_dim3A_88 = arith.constant 0.000000e+00 : f32
      %broadcast_in_dim3A_89 = vector.broadcast %broadcast_in_dim3A_88 : f32 to vector<512x126xf32>
      %concatenate3A_90 = tpu.concatenate %div3A_43, %div3A_47, %broadcast_in_dim3A_89 in 1 : vector<512x1xf32>, vector<512x1xf32>, vector<512x126xf32> -> vector<512x128xf32>
      %mul3A_91 = arith.constant 512 : i32
      %mul3A_92 = arith.muli %arg0, %mul3A_91 : i32
      %swap3A_93 = arith.index_cast %mul3A_92 : i32 to index
      %swap3A_94 = arith.constant 0 : index
      %swap3A_95 = vector.load %arg6[%swap3A_93, %swap3A_94] : memref<8192x128xf32, #tpu.memory_space<vmem>>, vector<512x128xf32>
      tpu.vector_store %arg6[%swap3A_93, %swap3A_94], %concatenate3A_90 {strides = array<i32>} : memref<8192x128xf32, #tpu.memory_space<vmem>>, vector<512x128xf32>,
      %eq3A_96 = arith.constant 15 : i32
      %eq3A_97 = arith.cmpi eq, %arg0, %eq3A_96 : i32
      %convert_element_type3A_98 = arith.extui %eq3A_97 : i1 to i32
      %cond3A_99 = arith.constant 0 : i32
      %cond3A_100 = arith.cmpi ne, %convert_element_type3A_98, %cond3A_99 : i32
      scf.if %cond3A_100 {
        %get3A_101 = arith.constant 0 : index
        %get3A_102 = arith.constant 0 : index
        %get3A_103 = vector.load %arg8[%get3A_101, %get3A_102] : memref<8x128xf32, #tpu.memory_space<vmem>>, vector<8x128xf32>
        %swap3A_104 = arith.constant 0 : index
        %swap3A_105 = arith.constant 0 : index
        %swap3A_106 = vector.load %arg4[%swap3A_104, %swap3A_105] : memref<8x128xf32, #tpu.memory_space<vmem>>, vector<8x128xf32>
        tpu.vector_store %arg4[%swap3A_104, %swap3A_105], %get3A_103 {strides = array<i32>} : memref<8x128xf32, #tpu.memory_space<vmem>>, vector<8x128xf32>,
      } else {
      }
    } else {
    }
    %ge3A = arith.constant 16 : i32
    %ge3A_6 = arith.cmpi sge, %arg0, %ge3A : i32
    %convert_element_type3A_7 = arith.extui %ge3A_6 : i1 to i32
    %cond3A_8 = arith.constant 0 : i32
    %cond3A_9 = arith.cmpi ne, %convert_element_type3A_7, %cond3A_8 : i32
    scf.if %cond3A_9 {
      %eq3A_10 = arith.constant 16 : i32
      %eq3A_11 = arith.cmpi eq, %arg0, %eq3A_10 : i32
      %convert_element_type3A_12 = arith.extui %eq3A_11 : i1 to i32
      %cond3A_13 = arith.constant 0 : i32
      %cond3A_14 = arith.cmpi ne, %convert_element_type3A_12, %cond3A_13 : i32
      scf.if %cond3A_14 {
        %iota3A_59 = tpu.iota {dimensions = array<i32: 0>} : vector<128x128xi32>
        %iota3A_60 = tpu.iota {dimensions = array<i32: 1>} : vector<128x128xi32>
        %lt3A_61 = arith.cmpi slt, %iota3A_59, %iota3A_60 : vector<128x128xi32>
        %convert_element_type3A_62 = arith.extui %lt3A_61 : vector<128x128xi1> to vector<128x128xi32>
        %convert_element_type3A_63 = arith.sitofp %convert_element_type3A_62 : vector<128x128xi32> to vector<128x128xf32>
        %get3A_64 = arith.constant 0 : index
        %get3A_65 = arith.constant 0 : index
        %get3A_66 = vector.load %arg8[%get3A_64, %get3A_65] : memref<8x128xf32, #tpu.memory_space<vmem>>, vector<8x128xf32>
        %dot_general3A = arith.constant dense<0.000000e+00> : vector<8x128xf32>
        %dot_general3A_67 = tpu.matmul %get3A_66, %convert_element_type3A_63, %dot_general3A {dimension_numbers = #tpu.dot_dimension_numbers<[1], [0], [0], [1], [0, 0, 1, 1], [], []>, precision = #tpu.contract_precision<fp32>, transpose_lhs_hint = false} : vector<8x128xf32>, vector<128x128xf32>, vector<8x128xf32> -> vector<8x128xf32>
        %swap3A_68 = arith.constant 0 : index
        %swap3A_69 = arith.constant 0 : index
        %swap3A_70 = vector.load %arg7[%swap3A_68, %swap3A_69] : memref<8x128xf32, #tpu.memory_space<vmem>>, vector<8x128xf32>
        tpu.vector_store %arg7[%swap3A_68, %swap3A_69], %dot_general3A_67 {strides = array<i32>} : memref<8x128xf32, #tpu.memory_space<vmem>>, vector<8x128xf32>,
      } else {
      }
      %sub3A = arith.constant 16 : i32
      %sub3A_15 = arith.subi %arg0, %sub3A : i32
      %mul3A = arith.constant 2048 : i32
      %mul3A_16 = arith.muli %sub3A_15, %mul3A : i32
      %get3A = arith.index_cast %mul3A_16 : i32 to index
      %get3A_17 = arith.constant 0 : index
      %get3A_18 = vector.load %arg5[%get3A, %get3A_17] : memref<8192x128xi32, #tpu.memory_space<vmem>>, vector<2048x128xi32>
      %mul3A_19 = arith.constant 2048 : i32
      %mul3A_20 = arith.muli %sub3A_15, %mul3A_19 : i32
      %get3A_21 = arith.index_cast %mul3A_20 : i32 to index
      %get3A_22 = arith.constant 0 : index
      %get3A_23 = vector.load %arg6[%get3A_21, %get3A_22] : memref<8192x128xf32, #tpu.memory_space<vmem>>, vector<2048x128xf32>
      %iota3A = tpu.iota {dimensions = array<i32: 1>} : vector<2048x64xi32>
      %get3A_24 = arith.constant 0 : index
      %get3A_25 = arith.constant 0 : index
      %get3A_26 = vector.load %arg7[%get3A_24, %get3A_25] : memref<8x128xf32, #tpu.memory_space<vmem>>, vector<1x64xf32>
      %broadcast_in_dim3A = arith.constant 0.000000e+00 : f32
      %broadcast_in_dim3A_27 = vector.broadcast %broadcast_in_dim3A : f32 to vector<2048x64xf32>
      %slice3A = vector.extract_strided_slice %get3A_18 {offsets = [0, 0], sizes = [2048, 1], strides = [1, 1]} : vector<2048x128xi32> to vector<2048x1xi32>
      %eq3A_28 = vector.broadcast %slice3A : vector<2048x1xi32> to vector<2048x64xi32>
      %eq3A_29 = arith.cmpi eq, %iota3A, %eq3A_28 : vector<2048x64xi32>
      %add3A = vector.broadcast %get3A_26 : vector<1x64xf32> to vector<2048x64xf32>
      %add3A_30 = arith.addf %add3A, %broadcast_in_dim3A_27 : vector<2048x64xf32>
      %jit3A = arith.constant 0.000000e+00 : f32
      %broadcast_in_dim3A_31 = vector.broadcast %jit3A : f32 to vector<2048x64xf32>
      %select_n3A = arith.select %eq3A_29, %add3A_30, %broadcast_in_dim3A_31 : vector<2048x64xi1>, vector<2048x64xf32>
      %reduce_sum3A = arith.constant dense<0.000000e+00> : vector<2048xf32>
      %reduce_sum3A_32 = vector.multi_reduction <add>, %select_n3A, %reduce_sum3A [1] : vector<2048x64xf32> to vector<2048xf32>
      %broadcast_in_dim3A_33 = vector.shape_cast %reduce_sum3A_32 : vector<2048xf32> to vector<2048x1xf32>
      %slice3A_34 = vector.extract_strided_slice %get3A_18 {offsets = [0, 1], sizes = [2048, 1], strides = [1, 1]} : vector<2048x128xi32> to vector<2048x1xi32>
      %eq3A_35 = vector.broadcast %slice3A_34 : vector<2048x1xi32> to vector<2048x64xi32>
      %eq3A_36 = arith.cmpi eq, %iota3A, %eq3A_35 : vector<2048x64xi32>
      %add3A_37 = vector.broadcast %get3A_26 : vector<1x64xf32> to vector<2048x64xf32>
      %add3A_38 = arith.addf %add3A_37, %broadcast_in_dim3A_27 : vector<2048x64xf32>
      %jit3A_39 = arith.constant 0.000000e+00 : f32
      %broadcast_in_dim3A_40 = vector.broadcast %jit3A_39 : f32 to vector<2048x64xf32>
      %select_n3A_41 = arith.select %eq3A_36, %add3A_38, %broadcast_in_dim3A_40 : vector<2048x64xi1>, vector<2048x64xf32>
      %reduce_sum3A_42 = arith.constant dense<0.000000e+00> : vector<2048xf32>
      %reduce_sum3A_43 = vector.multi_reduction <add>, %select_n3A_41, %reduce_sum3A_42 [1] : vector<2048x64xf32> to vector<2048xf32>
      %broadcast_in_dim3A_44 = vector.shape_cast %reduce_sum3A_43 : vector<2048xf32> to vector<2048x1xf32>
      %slice3A_45 = vector.extract_strided_slice %get3A_18 {offsets = [0, 2], sizes = [2048, 1], strides = [1, 1]} : vector<2048x128xi32> to vector<2048x1xi32>
      %convert_element_type3A_46 = arith.sitofp %slice3A_45 : vector<2048x1xi32> to vector<2048x1xf32>
      %add3A_47 = arith.addf %broadcast_in_dim3A_33, %convert_element_type3A_46 : vector<2048x1xf32>
      %slice3A_48 = vector.extract_strided_slice %get3A_18 {offsets = [0, 3], sizes = [2048, 1], strides = [1, 1]} : vector<2048x128xi32> to vector<2048x1xi32>
      %convert_element_type3A_49 = arith.sitofp %slice3A_48 : vector<2048x1xi32> to vector<2048x1xf32>
      %add3A_50 = arith.addf %broadcast_in_dim3A_44, %convert_element_type3A_49 : vector<2048x1xf32>
      %concatenate3A = tpu.concatenate %add3A_47, %add3A_50 in 1 : vector<2048x1xf32>, vector<2048x1xf32> -> vector<2048x2xf32>
      %transpose3A = tpu.transpose %concatenate3A, [1, 0] : vector<2048x2xf32> -> vector<2x2048xf32>
      %slice3A_51 = vector.extract_strided_slice %get3A_23 {offsets = [0, 0], sizes = [2048, 2], strides = [1, 1]} : vector<2048x128xf32> to vector<2048x2xf32>
      %transpose3A_52 = tpu.transpose %slice3A_51, [1, 0] : vector<2048x2xf32> -> vector<2x2048xf32>
      %convert_element_type3A_53 = arith.fptosi %transpose3A : vector<2x2048xf32> to vector<2x2048xi32>
      %bitcast_convert_type3A = tpu.bitcast %transpose3A_52 : vector<2x2048xf32> -> vector<2x2048xi32>
      %broadcast_in_dim3A_54 = arith.constant 0 : i32
      %broadcast_in_dim3A_55 = vector.broadcast %broadcast_in_dim3A_54 : i32 to vector<4x2048xi32>
      %concatenate3A_56 = tpu.concatenate %convert_element_type3A_53, %bitcast_convert_type3A, %broadcast_in_dim3A_55 in 0 : vector<2x2048xi32>, vector<2x2048xi32>, vector<4x2048xi32> -> vector<8x2048xi32>
      %swap3A = arith.constant 0 : index
      %swap3A_57 = arith.constant 0 : index
      %swap3A_58 = vector.load %arg3[%swap3A, %swap3A_57] : memref<8x2048xi32, #tpu.memory_space<vmem>>, vector<8x2048xi32>
      tpu.vector_store %arg3[%swap3A, %swap3A_57], %concatenate3A_56 {strides = array<i32>} : memref<8x2048xi32, #tpu.memory_space<vmem>>, vector<8x2048xi32>,
    } else {
    }
    return
  }
  func.func @transform_0(%arg0: i32) -> (i32, i32) {
    %min3A = arith.constant 15 : i32
    %min3A_0 = arith.minsi %arg0, %min3A : i32
    %c0_i32 = arith.constant 0 : i32
    %c0_i32_1 = arith.constant 0 : i32
    return %min3A_0, %c0_i32 : i32, i32
  }
  func.func @transform_1(%arg0: i32) -> (i32, i32) {
    %c0_i32 = arith.constant 0 : i32
    %c0_i32_0 = arith.constant 0 : i32
    %c0_i32_1 = arith.constant 0 : i32
    return %c0_i32, %c0_i32_0 : i32, i32
  }
  func.func @transform_2(%arg0: i32) -> (i32, i32) {
    %sub3A = arith.constant 16 : i32
    %sub3A_0 = arith.subi %arg0, %sub3A : i32
    %max3A = arith.constant 0 : i32
    %max3A_1 = arith.maxsi %sub3A_0, %max3A : i32
    %c0_i32 = arith.constant 0 : i32
    %c0_i32_2 = arith.constant 0 : i32
    return %c0_i32, %max3A_1 : i32, i32
  }
  func.func @transform_3(%arg0: i32) -> (i32, i32) {
    %c0_i32 = arith.constant 0 : i32
    %c0_i32_0 = arith.constant 0 : i32
    %c0_i32_1 = arith.constant 0 : i32
    return %c0_i32, %c0_i32_0 : i32, i32
  }
}

</mosaic_0001>

<sc_bundles>
// kernel: kernel.4.cloned.1.call-start
scs
__scs_entry_jumppad:
0x0: {  	(pc) =	sbr.rel $0x88, $3  }
0x1: {  	(tag) =	ssettag $0x0;
	lr =	simm.s32 $0x1  }
0x2: {  	[smem:$0x3F9F] =	sst lr;
	_ =	strace $0xD0000000  }
0x3: {  	_ = 	snop  }
0x4: {  	_ = 	snop  }
0x5: {  	_ = 	snop  }
0x6: {  	_ = 	snop  }
0x7: {  	_ = 	snop  }
__scs_overlays_trampoline_lowered:
0x8: {  	[smem:$0x3FAE] =	sst s0  }
0x9: {  	[smem:$0x3FAF] =	sst s1  }
0xa: {  	[smem:$0x3FB0] =	sst s2  }
0xb: {  	[smem:$0x3FB1] =	sst s3  }
0xc: {  	[smem:$0x3FB2] =	sst s4  }
0xd: {  	[smem:$0x3FB3] =	sst s5  }
0xe: {  	[smem:$0x3FB4] =	sst s6  }
0xf: {  	[smem:$0x3FB5] =	sst s7  }
0x10: {  	[smem:$0x3FB6] =	sst s8  }
0x11: {  	[smem:$0x3FB7] =	sst s9;
	s0 =	simm.s32 @!p0 $0x0  }
0x12: {  	s1 =	sld [smem:$0x3F9D];
	s0 =	simm.s32 @p0 $0x1  }
0x13: {  	[smem:$0x3FB8] =	sst s0;
	s0 =	simm.s32 @!p1 $0x0  }
0x14: {  	s2 =	sld [smem:$0x3F9C];
	s0 =	simm.s32 @p1 $0x1  }
0x15: {  	[smem:$0x3FB9] =	sst s0;
	s0 =	simm.s32 @!p2 $0x0  }
0x16: {  	s3 =	sld [smem:$0x3FDB];
	s0 =	simm.s32 @p2 $0x1  }
0x17: {  	s4 =	simm.s32 $0x1BF5;
	[smem:$0x3FBB] =	sst s0  }
0x18: {  	s0 =	sld [smem:$0x3F9E];
	_ =	swait.ge [sflag:s4], $0x0  }
0x19: {  	s7 =	sld [smem:$0x3F9F]  }
0x1a: {  	s8 =	sadd.s32 $0xFFFFE003, lr  }
0x1b: {  	s9 =	sadd.s32 $0xFFFFFEF7, lr;
	s5 =	simm.s32 $0xFFFFFFFF;
	p2 =	slt.u32 s8, $0xFFFFF086  }
0x1c: {  	p1 =	slt.u32 s9, $0xF7A;
	s5 =	simm.s32 @!p2 $0x0  }
0x1d: {  	s5 =	simm.s32 @p1 $0x1;
	p0 =	seq.s32 s7, s2  }
0x1e: {  	s7 =	smul.u32 @!p0 $0xF7A, s2;
	p2 =	seq.s32 @!p0 s5, $0x0  }
0x1f: {  	s9 =	smul.u32 $0xF7A, s1;
	s8 =	simm.s32 @!p0 $0x1BF5;
	p2 =	por !p2, p0  }
0x20: {  	[sflag:s8] =	ssyncset.s32 @!p0 $0xFFFFF086;
	s6 =	sadd.s32 @!p0 s3, s7;
	s7 =	simm.s32 @!p0 $0x108  }
0x21: {  	s3 =	sadd.s32 s3, s9;
	s6 =	sadd.s32 @!p0 $0x88, s6;
	s7 =	simm.s32 @p2 $0x1082  }
0x22: {  	[simem:s7], [sflag:s8] =	dma.local @!p0 [hbm:s6], $0xF7A  }
0x23: {  	s9 =	sor.u32 $0xD0000000, s2;
	s6 =	simm.s32 $0x108;
	_ =	swait.ge @!p0 [sflag:s8], $0x0  }
0x24: {  	s3 =	sadd.s32 $0x88, s3;
	s6 =	simm.s32 @!p1 $0x1082;
	[sflag:s4] =	ssyncset.s32 $0xFFFFF086  }
0x25: {  	[simem:s6], [sflag:s4] =	dma.local [hbm:s3], $0xF7A  }
0x26: {  	[smem:$0x3F9F] =	sst s1;
	(tag) =	ssettag s2;
	_ =	strace s9  }
0x27: {  	s1 =	sld [smem:$0x3FAF]  }
0x28: {  	s2 =	sld [smem:$0x3FB0]  }
0x29: {  	s4 =	sld [smem:$0x3FB2]  }
0x2a: {  	p0 =	seq.s32 s5, $0x0;
	s5 =	sld [smem:$0x3FB3]  }
0x2b: {  	s6 =	sld [smem:$0x3FB4]  }
0x2c: {  	s7 =	sld [smem:$0x3FB5]  }
0x2d: {  	s3 =	simm.s32 $0x108;
	s8 =	sld [smem:$0x3FB6]  }
0x2e: {  	s3 =	simm.s32 @!p0 $0x1082;
	s9 =	sld [smem:$0x3FB7]  }
0x2f: {  	lr =	sadd.s32 s0, s3;
	s0 =	sld [smem:$0x3FAE]  }
0x30: {  	s3 =	sld [smem:$0x3FB1]  }
0x31: {  	[smem:$0x3FBA] =	sst s10  }
0x32: {  	s10 =	sld [smem:$0x3FB8];
	_ =	sdelay $0x3  }
0x33: {  	p0 =	seq.s32 s10, $0x1;
	s10 =	sld [smem:$0x3FBA];
	_ =	sdelay $0x3  }
0x34: {  	[smem:$0x3FBA] =	sst s10  }
0x35: {  	s10 =	sld [smem:$0x3FB9];
	_ =	sdelay $0x3  }
0x36: {  	p1 =	seq.s32 s10, $0x1;
	s10 =	sld [smem:$0x3FBA];
	_ =	sdelay $0x3  }
0x37: {  	[smem:$0x3FBA] =	sst s10  }
0x38: {  	s10 =	sld [smem:$0x3FBB]  }
0x39: {  	_ = 	snop;
	(pc) =	sbr.ind lr, $3  }
0x3a: {  	_ = 	snop  }
0x3b: {  	_ = 	snop  }
0x3c: {  	p2 =	seq.s32 s10, $0x1;
	s10 =	sld [smem:$0x3FBA]  }
0x3d: {  	_ =	shalt  }
0x3e: {  	_ =	shalt  }
0x3f: {  	_ =	shalt  }
0x40: {  	_ =	shalt  }
0x41: {  	_ =	shalt  }
0x42: {  	_ =	shalt  }
0x43: {  	_ =	shalt  }
0x44: {  	_ =	shalt  }
0x45: {  	_ =	shalt  }
0x46: {  	_ =	shalt  }
0x47: {  	_ =	shalt  }
0x48: {  	_ =	shalt  }
0x49: {  	_ =	shalt  }
0x4a: {  	_ =	shalt  }
0x4b: {  	_ =	shalt  }
0x4c: {  	_ =	shalt  }
0x4d: {  	_ =	shalt  }
0x4e: {  	_ =	shalt  }
0x4f: {  	_ =	shalt  }
0x50: {  	_ =	shalt  }
0x51: {  	_ =	shalt  }
0x52: {  	_ =	shalt  }
0x53: {  	_ =	shalt  }
0x54: {  	_ =	shalt  }
0x55: {  	_ =	shalt  }
0x56: {  	_ =	shalt  }
0x57: {  	_ =	shalt  }
0x58: {  	_ =	shalt  }
0x59: {  	_ =	shalt  }
0x5a: {  	_ =	shalt  }
0x5b: {  	_ =	shalt  }
0x5c: {  	_ =	shalt  }
0x5d: {  	_ =	shalt  }
0x5e: {  	_ =	shalt  }
0x5f: {  	_ =	shalt  }
0x60: {  	_ =	shalt  }
0x61: {  	_ =	shalt  }
0x62: {  	_ =	shalt  }
0x63: {  	_ =	shalt  }
0x64: {  	_ =	shalt  }
0x65: {  	_ =	shalt  }
0x66: {  	_ =	shalt  }
0x67: {  	_ =	shalt  }
0x68: {  	_ =	shalt  }
0x69: {  	_ =	shalt  }
0x6a: {  	_ =	shalt  }
0x6b: {  	_ =	shalt  }
0x6c: {  	_ =	shalt  }
0x6d: {  	_ =	shalt  }
0x6e: {  	_ =	shalt  }
0x6f: {  	_ =	shalt  }
0x70: {  	_ =	shalt  }
0x71: {  	_ =	shalt  }
0x72: {  	_ =	shalt  }
0x73: {  	_ =	shalt  }
0x74: {  	_ =	shalt  }
0x75: {  	_ =	shalt  }
0x76: {  	_ =	shalt  }
0x77: {  	_ =	shalt  }
0x78: {  	_ =	shalt  }
0x79: {  	_ =	shalt  }
0x7a: {  	_ =	shalt  }
0x7b: {  	_ =	shalt  }
0x7c: {  	_ =	shalt  }
0x7d: {  	_ =	shalt  }
0x7e: {  	_ =	shalt  }
0x7f: {  	_ =	shalt  }
0x80: {  	_ =	shalt  }
0x81: {  	_ =	shalt  }
0x82: {  	_ =	shalt  }
0x83: {  	_ =	shalt  }
0x84: {  	_ =	shalt  }
0x85: {  	_ =	shalt  }
0x86: {  	_ =	shalt  }
0x87: {  	_ =	shalt  }
.Lfunc_end0:
.L_simem_size_0:
called_computation_lowered:
.L_overlay_start_0:
0x88: {  	s2 =	sld [smem:$0x3FD9]  }
0x89: {  	s3 =	sld [smem:$0x3FFE];
	_ =	sdelay $0x1  }
0x8a: {  	s1 =	srdreg.scid  }
0x8b: {  	s0 =	sand.u32 $0x1, s1  }
0x8c: {  	s14 =	sshll.u32 s0, $0xA;
	s2 =	sadd.s32 s3, s2  }
0x8d: {  	s2 =	sadd.s32 s2, s14  }
0x8e: {  	[smem:$0x3FC6] =	sst s2  }
0x8f: {  	_ = 	snop  }
0x90: {  	s2 =	sld [smem:$0x3FD0];
	_ =	sdelay $0x2  }
0x91: {  	s4 =	simm.s32 $0xA;
	s5 =	simm.s32 $0x10;
	s15 =	sld [smem:$0x3FC9]  }
0x92: {  	[smem:s5], [sflag:s4] =	dma.local [hbm:s2], $0x1  }
0x93: {  	_ =	swait.eq [sflag:s4], $0x1  }
0x94: {  	s16 =	sld [smem:$0x10];
	[sflag:s4] =	ssyncset.done $0x0  }
0x95: {  	s17 =	sld [smem:$0x12];
	[sflag:s4] =	ssyncadd.s32 $0xFFFFFFFF  }
0x96: {  	s18 =	sld [smem:$0x13];
	(tm) =	ssettm $0x1  }
0x97: {  	s6 =	sld [smem:$0x3FFB];
	_ =	sdelay $0x3  }
0x98: {  	_ =	strace s6  }
0x99: {  	s6 =	sld [smem:$0x3FFC];
	_ =	sdelay $0x3  }
0x9a: {  	_ =	strace s6  }
0x9b: {  	s6 =	sld [smem:$0x3FFD];
	_ =	sdelay $0x3  }
0x9c: {  	_ =	strace s6  }
0x9d: {  	_ =	strace $0x8FFFFFFF  }
0x9e: {  	s19 =	sld [smem:$0x3FDB];
	_ =	sdelay $0x1  }
0x9f: {  	s7 =	simm.s32 $_scs_section_size  }
0xa0: {  	s8 =	simm.s32 $_size__tile_overlayer_lowered;
	s9 =	simm.s32 $_tile_overlayer_lowered  }
0xa1: {  	s22 =	simm.s32 $0x1BFF;
	s21 =	sshll.u32 s9, $0x1;
	s6 =	sadd.s32 s7, s19  }
0xa2: {  	s10 =	simm.s32 $0x0;
	s20 =	sshll.u32 s8, $0x1;
	s8 =	sadd.s32 s21, s6  }
0xa3: {  	[timem:s10], [sflag:s22] =	dma.local [hbm:s8], s20  }
0xa4: {  	_ =	swait.ge [sflag:s22], s20  }
0xa5: {  	s7 =	ssub.s32 $0x0, s20;
	[sflag:s22] =	ssyncset.done $0x0  }
0xa6: {  	[sflag:s22] =	ssyncadd.s32 s7;
	_ =	sdelay $0x1  }
0xa7: {  	s23 =	simm.s32 $0x1B8B  }
0xa8: {  	_ =	swait.ge [sflag:s23], $0x1  }
0xa9: {  	[sflag:s23] =	ssyncset.done $0x0  }
0xaa: {  	s25 =	simm.s32 $0x1B8E;
	s24 =	sld [smem:$0x3FFE];
	[sflag:s23] =	ssyncadd.s32 $0xFFFFFFFF  }
0xab: {  	s26 =	simm.s32 $execute0_lowered;
	[smem:$0x3FD2] =	sst s25  }
0xac: {  	s8 =	sshll.u32 s26, $0x1;
	_ =	strace $0x80000046;
	[dreg:$0x1] =	wrdreg $0xFFFFFFFF  }
0xad: {  	s28 =	simm.s32 $_size_execute0_lowered;
	s6 =	sadd.s32 s6, s8;
	[dreg:$0x0] =	wrdreg $0x0  }
0xae: {  	s8 =	sshll.u32 s28, $0x1;
	[dreg:$0x2] =	wrdreg s6  }
0xaf: {  	[dreg:$0x3] =	wrdreg s8  }
0xb0: {  	[dreg:$0x4] =	wrdreg $0xC0  }
0xb1: {  	_ =	task [dreg:s10], $0x5FFFF  }
0xb2: {  	[dreg:$0x1] =	wrdreg $0xFFFFFFFF  }
0xb3: {  	[dreg:$0x0] =	wrdreg $0x60  }
0xb4: {  	[dreg:$0x2] =	wrdreg s15  }
0xb5: {  	[dreg:$0x3] =	wrdreg s24  }
0xb6: {  	[dreg:$0x4] =	wrdreg s16  }
0xb7: {  	[dreg:$0x5] =	wrdreg s17  }
0xb8: {  	[dreg:$0x6] =	wrdreg s18  }
0xb9: {  	[dreg:$0x7] =	wrdreg $0x9  }
0xba: {  	_ =	task.clear_ibuf [dreg:s10], $0x8FFFF;
	_ =	strace $0x90000046  }
0xbb: {  	s29 =	simm.s32 $0x9;
	_ =	strace $0x80000048  }
0xbc: {  	_ =	swait.ge [sflag:s29], $0x1  }
0xbd: {  	[sflag:s29] =	ssyncadd.s32 $0xFFFFFFFF  }
0xbe: {  	_ =	strace $0x90000048  }
0xbf: {  	_ =	sfence  }
0xc0: {  	s30 =	sld [smem:$0x0];
	_ =	sdelay $0x2  }
0xc1: {  	s31 =	sshll.u32 s1, $0xD;
	s1 =	sshrl.u32 s1, $0x2  }
0xc2: {  	s3 =	sand.u32 $0x4000, s31;
	s1 =	sadd.s32 s1, s30  }
0xc3: {  	s0 =	sor.u32 s3, s0;
	s1 =	sshll.u32 s1, $0x11  }
0xc4: {  	s0 =	sor.u32 s1, s0  }
0xc5: {  	s0 =	sadd.s32 $0x8F2B, s0  }
0xc6: {  	[sflag:s0] =	ssyncadd.remote.s32 $0x1  }
0xc7: {  	_ =	sfence.sel $0xFFFF  }
0xc8: {  	[dreg:$0x0] =	wrdreg $0xFFFFFFFF;
	(pc) =	sbr.abs _section_cstart, $3  }
0xc9: {  	[dreg:$0x1] =	wrdreg $0xFFFFFFFF  }
0xca: {  	_ =	task.clear_ibuf [dreg:s10], $0x2FFFF;
	_ =	strace $0x9FFFFFFF  }
0xcb: {  	(tm) =	ssettm $0x7FFFFFFF  }
tec
execute0_lowered:
.L_overlay_start_1:
0x0: {  	(tag) =	ssettag $0x1  }
0x1: {  	s0 =	rddreg [dreg:$0x0]  }
0x2: {  	s2 =	rddreg [dreg:$0x1]  }
0x3: {  	s1 =	rddreg [dreg:$0x2];
	s5 =	simm.s32 $0x0;
	s3 =	srdreg.scid  }
0x4: {  	s18 =	stileid.u32;
	s25 =	simm.s32 $0x100;
	[smem:$0x7FF] =	sst s5  }
0x5: {  	s3 =	sand.u32 $0x1, s3;
	s4 =	sadd.s32 $0xC00, s2;
	s7 =	sshll.u32 s18, $0x1  }
0x6: {  	s2 =	sadd.s32 $0x4C00, s2;
	s29 =	sadd.s32 $0x100, s1;
	s30 =	sadd.s32 $0x200, s1  }
0x7: {  	s31 =	sadd.s32 $0x300, s1;
	_ =	strace $0x80000047;
	[dreg:$0x16] =	wrdreg s29  }
0x8: {  	s9 =	sadd.s32 $0x500, s1;
	s10 =	sadd.s32 $0x600, s1;
	[dreg:$0x17] =	wrdreg s30  }
0x9: {  	s11 =	sadd.s32 $0x700, s1;
	s12 =	sshll.u32 s18, $0xA;
	[dreg:$0x18] =	wrdreg s31  }
0xa: {  	s17 =	sshll.u32 s18, $0x12;
	s22 =	sshll.u32 s18, $0x9;
	[dreg:$0x1a] =	wrdreg s9  }
0xb: {  	s6 =	ssub.s32 $0x2, s3;
	s7 =	sor.u32 s3, s7;
	[dreg:$0x1b] =	wrdreg s10  }
0xc: {  	[dreg:$0x1c] =	wrdreg s11;
	s13 =	sshll.u32 s3, $0x9;
	s10 =	sadd.s32 $0x800, s1  }
0xd: {  	[dreg:$0xa] =	wrdreg s25;
	s29 =	simm.s32 $0x10A00;
	s30 =	simm.s32 $0x10980  }
0xe: {  	s31 =	simm.s32 $0x10A80;
	s8 =	sshrl.u32 s6, $0x1;
	[dreg:$0xd] =	wrdreg s29  }
0xf: {  	s26 =	sshll.u32 s7, $0x11;
	s7 =	sshll.u32 s7, $0x9;
	[dreg:$0xe] =	wrdreg s30  }
0x10: {  	[dreg:$0xf] =	wrdreg s31;
	s6 =	ssub.s32 s6, s8;
	s8 =	sadd.s32 s0, s26  }
0x11: {  	s14 =	sshll.u32 s3, $0x11;
	s28 =	sadd.s32 s4, s7;
	[dreg:$0x10] =	wrdreg s8  }
0x12: {  	s24 =	sshll.u32 s3, $0x8;
	s7 =	sadd.s32 s2, s7;
	[dreg:$0x11] =	wrdreg s28  }
0x13: {  	s0 =	sadd.s32 s17, s0;
	s26 =	simm.s32 $0x300;
	[dreg:$0x12] =	wrdreg s7  }
0x14: {  	s17 =	simm.s32 $0x7;
	s8 =	sadd.s32 $0x400, s1;
	[dreg:$0xb] =	wrdreg s26  }
0x15: {  	s7 =	sor.u32 s13, s12;
	s6 =	smax.u32 s6, $0x1;
	[dreg:$0x19] =	wrdreg s8  }
0x16: {  	s19 =	sadd.s32 s14, s0;
	s28 =	simm.s32 $0x10900;
	[dreg:$0x13] =	wrdreg s6  }
0x17: {  	s15 =	sor.u32 $0x40, s7;
	[dreg:$0xc] =	wrdreg s28;
	s6 =	simm.s32 $0x0  }
0x18: {  	[dreg:$0x15] =	wrdreg s19;
	s16 =	sadd.s32 s15, s4;
	s20 =	sadd.s32 s15, s2  }
0x19: {  	s4 =	sadd.s32 s7, s4;
	s2 =	sadd.s32 s7, s2;
	[dreg:$0x6] =	wrdreg s16  }
0x1a: {  	[dreg:$0x7] =	wrdreg s20;
	s21 =	sadd.s32 $0x20, s4;
	s23 =	sadd.s32 $0x20, s2  }
0x1b: {  	v0 =	vlaneseq.u32;
	s2 =	sor.u32 s24, s22;
	s4 =	simm.s32 $0x400;
	[dreg:$0x8] =	wrdreg s21  }
0x1c: {  	vm0 =	vmmov $0xffff;
	v2 =	vshrl.u32 v0, $0x3;
	s20 =	simm.s32 $0x1;
	s24 =	simm.s32 $0x3400;
	[dreg:$0x9] =	wrdreg s23  }
0x1d: {  	v1 =	vand.u32 $0x7, v0;
	v3 =	vor.u32 $0x8, v0;
	v2 =	vmul.u32 $0x8, v2;
	[dreg:$0x14] =	wrdreg s2;
	s21 =	simm.s32 $0x1400;
	s23 =	simm.s32 $0x2400  }
.LBB2_1:
0x1e: {  	[dreg:$0x1d] =	wrdreg s6  }
0x1f: {  	s0 =	rddreg [dreg:$0x10]  }
0x20: {  	s28 =	rddreg [dreg:$0x11]  }
0x21: {  	s2 =	simm.s32 $0x4000;
	s3 =	simm.s32 $0x8000;
	s29 =	rddreg [dreg:$0x12]  }
0x22: {  	[tilespmem:s4], [sflag:$0x1] =	stream.strided.gather [hbm4b:s0+s2], $0x8000, s3, s2, $0x38;
	[tilespmem:$0x10B00] =	vst v63  }
0x23: {  	s30 =	simm.s32 $0x200;
	s31 =	simm.s32 $0x1;
	s22 =	rddreg [dreg:$0x14]  }
0x24: {  	[tilespmem:s5], [sflag:$0x7] =	stream.linear.gather [hbm4b:s28+s5], $0x100, $0x38;
	[tilespmem:$0x10B00] =	vst v63  }
0x25: {  	[dreg:$0x1e] =	wrdreg s31;
	s2 =	simm.s32 $0x0;
	s4 =	simm.s32 $0x0  }
0x26: {  	[tilespmem:s30], [sflag:$0x7] =	stream.linear.gather [hbm4b:s29+s5], $0x100, $0x38;
	[tilespmem:$0x10B00] =	vst v63  }
.LBB2_2:
0x27: {  	[smem:$0x7FD] =	sst s2  }
0x28: {  	[dreg:$0x1f] =	wrdreg s22  }
0x29: {  	_ =	swait.ge [sflag:s17], $0x100  }
0x2a: {  	[sflag:s17] =	ssyncset.done $0x0  }
0x2b: {  	[sflag:s17] =	ssyncadd.s32 $0xFFFFFF00  }
0x2c: {  	_ =	swait.ge [sflag:s17], $0x100  }
0x2d: {  	s6 =	rddreg [dreg:$0x8]  }
0x2e: {  	s7 =	rddreg [dreg:$0xa];
	[sflag:s17] =	ssyncset.done $0x0  }
0x2f: {  	s8 =	rddreg [dreg:$0x9];
	[sflag:s17] =	ssyncadd.s32 $0xFFFFFF00;
	s6 =	sadd.s32 s2, s6  }
0x30: {  	[tilespmem:s7], [sflag:$0x8] =	stream.linear.gather [hbm4b:s6+s5], $0x100, $0x38;
	[tilespmem:$0x10B00] =	vst v63  }
0x31: {  	s15 =	rddreg [dreg:$0xb];
	s16 =	sadd.s32 s2, s8  }
0x32: {  	[tilespmem:s15], [sflag:$0x8] =	stream.linear.gather [hbm4b:s16+s5], $0x100, $0x38;
	[tilespmem:$0x10B00] =	vst v63  }
0x33: {  	v4 =	vld [tilespmem:$0x0];
	_ =	sdelay $0x1  }
0x34: {  	v5 =	vld [tilespmem:$0x80];
	_ =	swait.ge [sflag:s20], $0x8000  }
0x35: {  	[sflag:s20] =	ssyncset.done $0x0  }
0x36: {  	[sflag:s20] =	ssyncadd.s32 $0xFFFF8000  }
0x37: {  	[tilespmem:$0x10400] =	vst v4  }
0x38: {  	v6 =	vld [tilespmem:$0x10400];
	_ =	sdelay $0x4  }
0x39: {  	v7 =	vshll.u32 v6, $0x5  }
0x3a: {  	v6 =	vand.u32 $0x7, v6;
	v7 =	vand.u32 $0xFFFFFF00, v7  }
0x3b: {  	v6 =	vor.u32 v6, v7  }
0x3c: {  	v7 =	vperm.xlane v6, v1;
	_ =	sdelay $0x1  }
0x3d: {  	v7 =	vadd.s32 v2, v7;
	_ =	sdelay $0x3  }
0x3e: {  	s0 =	simm.s32 $0x400;
	[tilespmem:$0x10480] =	vst v5  }
0x3f: {  	[hbm4b:s1+s5] =	stream.indirect_vreg.scatter [tilespmem:s0], [sflag:$0x3], $0x80, v7, vm0, $0xb8;
	[tilespmem:$0x10B00] =	vst v63  }
0x40: {  	s18 =	simm.s32 $0xC00;
	s11 =	rddreg [dreg:$0x16]  }
0x41: {  	[hbm4b:s11+s5] =	stream.indirect_vreg.scatter [tilespmem:s18], [sflag:$0x3], $0x80, v7, vm0, $0xb8;
	[tilespmem:$0x10B00] =	vst v63  }
0x42: {  	s12 =	rddreg [dreg:$0x17]  }
0x43: {  	[hbm4b:s12+s5] =	stream.indirect_vreg.scatter [tilespmem:s21], [sflag:$0x3], $0x80, v7, vm0, $0xb8;
	[tilespmem:$0x10B00] =	vst v63  }
0x44: {  	s13 =	rddreg [dreg:$0x18];
	s0 =	simm.s32 $0x1C00  }
0x45: {  	[hbm4b:s13+s5] =	stream.indirect_vreg.scatter [tilespmem:s0], [sflag:$0x3], $0x80, v7, vm0, $0xb8;
	[tilespmem:$0x10B00] =	vst v63  }
0x46: {  	s14 =	rddreg [dreg:$0x19]  }
0x47: {  	[hbm4b:s14+s5] =	stream.indirect_vreg.scatter [tilespmem:s23], [sflag:$0x3], $0x80, v7, vm0, $0xb8;
	[tilespmem:$0x10B00] =	vst v63  }
0x48: {  	s2 =	simm.s32 $0x2C00;
	s15 =	rddreg [dreg:$0x1a];
	v6 =	vperm.xlane v6, v3  }
0x49: {  	[hbm4b:s15+s5] =	stream.indirect_vreg.scatter [tilespmem:s2], [sflag:$0x3], $0x80, v7, vm0, $0xb8;
	[tilespmem:$0x10B00] =	vst v63  }
0x4a: {  	s9 =	rddreg [dreg:$0x1b];
	v6 =	vadd.s32 v2, v6  }
0x4b: {  	[hbm4b:s9+s5] =	stream.indirect_vreg.scatter [tilespmem:s24], [sflag:$0x3], $0x80, v7, vm0, $0xb8;
	[tilespmem:$0x10B00] =	vst v63  }
0x4c: {  	s3 =	simm.s32 $0x3C00;
	s31 =	rddreg [dreg:$0x1c]  }
0x4d: {  	[hbm4b:s31+s5] =	stream.indirect_vreg.scatter [tilespmem:s3], [sflag:$0x3], $0x80, v7, vm0, $0xb8;
	[tilespmem:$0x10B00] =	vst v63  }
0x4e: {  	s17 =	simm.s32 $0x4400  }
0x4f: {  	[hbm4b:s1+s5] =	stream.indirect_vreg.scatter [tilespmem:s17], [sflag:$0x3], $0x80, v6, vm0, $0xb8;
	[tilespmem:$0x10B00] =	vst v63  }
0x50: {  	s20 =	simm.s32 $0x4C00  }
0x51: {  	[hbm4b:s11+s5] =	stream.indirect_vreg.scatter [tilespmem:s20], [sflag:$0x3], $0x80, v6, vm0, $0xb8;
	[tilespmem:$0x10B00] =	vst v63  }
0x52: {  	s25 =	simm.s32 $0x5400  }
0x53: {  	[hbm4b:s12+s5] =	stream.indirect_vreg.scatter [tilespmem:s25], [sflag:$0x3], $0x80, v6, vm0, $0xb8;
	[tilespmem:$0x10B00] =	vst v63  }
0x54: {  	s28 =	simm.s32 $0x5C00  }
0x55: {  	[hbm4b:s13+s5] =	stream.indirect_vreg.scatter [tilespmem:s28], [sflag:$0x3], $0x80, v6, vm0, $0xb8;
	[tilespmem:$0x10B00] =	vst v63  }
0x56: {  	s29 =	simm.s32 $0x6400  }
0x57: {  	[hbm4b:s14+s5] =	stream.indirect_vreg.scatter [tilespmem:s29], [sflag:$0x3], $0x80, v6, vm0, $0xb8;
	[tilespmem:$0x10B00] =	vst v63  }
0x58: {  	s30 =	simm.s32 $0x6C00  }
0x59: {  	[hbm4b:s15+s5] =	stream.indirect_vreg.scatter [tilespmem:s30], [sflag:$0x3], $0x80, v6, vm0, $0xb8;
	[tilespmem:$0x10B00] =	vst v63  }
0x5a: {  	s16 =	simm.s32 $0x7400  }
0x5b: {  	[hbm4b:s9+s5] =	stream.indirect_vreg.scatter [tilespmem:s16], [sflag:$0x3], $0x80, v6, vm0, $0xb8;
	[tilespmem:$0x10B00] =	vst v63  }
0x5c: {  	s29 =	simm.s32 $0x7C00  }
0x5d: {  	[hbm4b:s31+s5] =	stream.indirect_vreg.scatter [tilespmem:s29], [sflag:$0x3], $0x80, v6, vm0, $0xb8;
	[tilespmem:$0x10B00] =	vst v63  }
0x5e: {  	v6 =	vld [tilespmem:$0x10480];
	_ =	sdelay $0x4  }
0x5f: {  	v53 =	vshll.u32 v6, $0x5  }
0x60: {  	v6 =	vand.u32 $0x7, v6;
	v7 =	vand.u32 $0xFFFFFF00, v53  }
0x61: {  	v6 =	vor.u32 v6, v7  }
0x62: {  	v7 =	vperm.xlane v6, v1;
	_ =	sdelay $0x1  }
0x63: {  	v7 =	vadd.s32 v2, v7;
	_ =	sdelay $0x3  }
0x64: {  	s26 =	simm.s32 $0x400  }
0x65: {  	[hbm4b:s1+s5] =	stream.indirect_vreg.scatter [tilespmem:s26], [sflag:$0x3], $0x80, v7, vm0, $0xb8;
	[tilespmem:$0x10B00] =	vst v63  }
0x66: {  	_ = 	snop  }
0x67: {  	[hbm4b:s11+s5] =	stream.indirect_vreg.scatter [tilespmem:s18], [sflag:$0x3], $0x80, v7, vm0, $0xb8;
	[tilespmem:$0x10B00] =	vst v63  }
0x68: {  	_ = 	snop  }
0x69: {  	[hbm4b:s12+s5] =	stream.indirect_vreg.scatter [tilespmem:s21], [sflag:$0x3], $0x80, v7, vm0, $0xb8;
	[tilespmem:$0x10B00] =	vst v63  }
0x6a: {  	_ = 	snop  }
0x6b: {  	[hbm4b:s13+s5] =	stream.indirect_vreg.scatter [tilespmem:s0], [sflag:$0x3], $0x80, v7, vm0, $0xb8;
	[tilespmem:$0x10B00] =	vst v63  }
0x6c: {  	_ = 	snop  }
0x6d: {  	[hbm4b:s14+s5] =	stream.indirect_vreg.scatter [tilespmem:s23], [sflag:$0x3], $0x80, v7, vm0, $0xb8;
	[tilespmem:$0x10B00] =	vst v63  }
0x6e: {  	v6 =	vperm.xlane v6, v3  }
0x6f: {  	[hbm4b:s15+s5] =	stream.indirect_vreg.scatter [tilespmem:s2], [sflag:$0x3], $0x80, v7, vm0, $0xb8;
	[tilespmem:$0x10B00] =	vst v63  }
0x70: {  	v6 =	vadd.s32 v2, v6  }
0x71: {  	[hbm4b:s9+s5] =	stream.indirect_vreg.scatter [tilespmem:s24], [sflag:$0x3], $0x80, v7, vm0, $0xb8;
	[tilespmem:$0x10B00] =	vst v63  }
0x72: {  	_ = 	snop  }
0x73: {  	[hbm4b:s31+s5] =	stream.indirect_vreg.scatter [tilespmem:s3], [sflag:$0x3], $0x80, v7, vm0, $0xb8;
	[tilespmem:$0x10B00] =	vst v63  }
0x74: {  	s7 =	simm.s32 $0x4400  }
0x75: {  	[hbm4b:s1+s5] =	stream.indirect_vreg.scatter [tilespmem:s7], [sflag:$0x3], $0x80, v6, vm0, $0xb8;
	[tilespmem:$0x10B00] =	vst v63  }
0x76: {  	s8 =	simm.s32 $0x4C00  }
0x77: {  	[hbm4b:s11+s5] =	stream.indirect_vreg.scatter [tilespmem:s8], [sflag:$0x3], $0x80, v6, vm0, $0xb8;
	[tilespmem:$0x10B00] =	vst v63  }
0x78: {  	s17 =	simm.s32 $0x5400  }
0x79: {  	[hbm4b:s12+s5] =	stream.indirect_vreg.scatter [tilespmem:s17], [sflag:$0x3], $0x80, v6, vm0, $0xb8;
	[tilespmem:$0x10B00] =	vst v63  }
0x7a: {  	s20 =	simm.s32 $0x5C00  }
0x7b: {  	[hbm4b:s13+s5] =	stream.indirect_vreg.scatter [tilespmem:s20], [sflag:$0x3], $0x80, v6, vm0, $0xb8;
	[tilespmem:$0x10B00] =	vst v63  }
0x7c: {  	s25 =	simm.s32 $0x6400  }
0x7d: {  	[hbm4b:s14+s5] =	stream.indirect_vreg.scatter [tilespmem:s25], [sflag:$0x3], $0x80, v6, vm0, $0xb8;
	[tilespmem:$0x10B00] =	vst v63  }
0x7e: {  	s28 =	simm.s32 $0x6C00  }
0x7f: {  	[hbm4b:s15+s5] =	stream.indirect_vreg.scatter [tilespmem:s28], [sflag:$0x3], $0x80, v6, vm0, $0xb8;
	[tilespmem:$0x10B00] =	vst v63  }
0x80: {  	p0 =	seq.s32 s4, $0x0;
	s30 =	simm.s32 $0x7400  }
0x81: {  	[hbm4b:s9+s5] =	stream.indirect_vreg.scatter [tilespmem:s30], [sflag:$0x3], $0x80, v6, vm0, $0xb8;
	[tilespmem:$0x10B00] =	vst v63  }
0x82: {  	s6 =	simm.s32 @!p0 $0x5;
	s16 =	simm.s32 $0x7C00  }
0x83: {  	[hbm4b:s31+s5] =	stream.indirect_vreg.scatter [tilespmem:s16], [sflag:$0x3], $0x80, v6, vm0, $0xb8;
	[tilespmem:$0x10B00] =	vst v63  }
0x84: {  	_ =	swait.ge @!p0 [sflag:s6], $0x10  }
0x85: {  	[sflag:s6] =	ssyncset.done @!p0 $0x0  }
0x86: {  	[sflag:s6] =	ssyncadd.s32 @!p0 $0xFFFFFFF0  }
0x87: {  	_ =	swait.ge @!p0 [sflag:s6], $0x10  }
0x88: {  	[sflag:s6] =	ssyncset.done @!p0 $0x0  }
0x89: {  	[sflag:s6] =	ssyncadd.s32 @!p0 $0xFFFFFFF0  }
0x8a: {  	_ =	swait.ge @!p0 [sflag:s6], $0x10  }
0x8b: {  	[sflag:s6] =	ssyncset.done @!p0 $0x0  }
0x8c: {  	[sflag:s6] =	ssyncadd.s32 @!p0 $0xFFFFFFF0  }
0x8d: {  	_ =	swait.ge @!p0 [sflag:s6], $0x10  }
0x8e: {  	[sflag:s6] =	ssyncset.done @!p0 $0x0  }
0x8f: {  	[sflag:s6] =	ssyncadd.s32 @!p0 $0xFFFFFFF0  }
0x90: {  	v54 =	vld [tilespmem:$0x200]  }
0x91: {  	v55 =	vld [tilespmem:$0x280]  }
0x92: {  	[tilespmem:$0x10600] =	vst v4  }
0x93: {  	v8 =	vor.u32 s22, v0;
	[tilespmem:$0x10700] =	vst v5  }
0x94: {  	[tilespmem:$0x10800] =	vst v8  }
0x95: {  	s22 =	simm.s32 $0x10600;
	[tilespmem:$0x10900] =	vst v54  }
0x96: {  	s21 =	simm.s32 $0x10;
	s23 =	simm.s32 $0x10800;
	s25 =	rddreg [dreg:$0x3];
	[tilespmem:$0x10A00] =	vst v55  }
0x97: {  	[hbm4b:s25+s21] =	stream.indirect.scatter [tilespmem:s23], [sflag:$0x5], $0x1, s22, s21, $0xb8;
	[tilespmem:$0x10B00] =	vst v63  }
0x98: {  	s28 =	simm.s32 $0x10700;
	s24 =	rddreg [dreg:$0xc]  }
0x99: {  	[hbm4b:s25+s21] =	stream.indirect.scatter [tilespmem:s23], [sflag:$0x5], $0x1, s28, s21, $0xb8;
	[tilespmem:$0x10B00] =	vst v63  }
0x9a: {  	s30 =	rddreg [dreg:$0x4]  }
0x9b: {  	[hbm4b:s30+s21] =	stream.indirect.scatter [tilespmem:s24], [sflag:$0x5], $0x1, s22, s21, $0xb8;
	[tilespmem:$0x10B00] =	vst v63  }
0x9c: {  	s29 =	rddreg [dreg:$0xd];
	s6 =	simm.s32 @!p0 $0x4  }
0x9d: {  	[hbm4b:s30+s21] =	stream.indirect.scatter [tilespmem:s29], [sflag:$0x5], $0x1, s28, s21, $0xb8;
	[tilespmem:$0x10B00] =	vst v63  }
0x9e: {  	_ =	swait.ge @!p0 [sflag:s6], $0x8000  }
0x9f: {  	[sflag:s6] =	ssyncset.done @!p0 $0x0  }
0xa0: {  	s18 =	simm.s32 $0x4000;
	[sflag:s6] =	ssyncadd.s32 @!p0 $0xFFFF8000  }
0xa1: {  	s8 =	simm.s32 $0x8400;
	s17 =	simm.s32 $0x8000;
	_ =	swait.ge @!p0 [sflag:s6], $0x8000  }
0xa2: {  	s16 =	sadd.s32 s4, s19;
	s19 =	simm.s32 $0x2;
	[sflag:s6] =	ssyncset.done @!p0 $0x0  }
0xa3: {  	s7 =	sadd.s32 $0x800, s16;
	[smem:$0x7FC] =	sst s16;
	[sflag:s6] =	ssyncadd.s32 @!p0 $0xFFFF8000  }
0xa4: {  	[tilespmem:s8], [sflag:$0x2] =	stream.strided.gather [hbm4b:s7+s18], $0x8000, s17, s18, $0x38;
	[tilespmem:$0x10B00] =	vst v63  }
0xa5: {  	_ =	swait.ge [sflag:s19], $0x8000  }
0xa6: {  	[sflag:s19] =	ssyncset.done $0x0  }
0xa7: {  	[sflag:s19] =	ssyncadd.s32 $0xFFFF8000  }
0xa8: {  	[tilespmem:$0x10500] =	vst v4  }
0xa9: {  	v4 =	vld [tilespmem:$0x10500];
	_ =	sdelay $0x4  }
0xaa: {  	v56 =	vshll.u32 v4, $0x5  }
0xab: {  	v4 =	vand.u32 $0x7, v4;
	v6 =	vand.u32 $0xFFFFFF00, v56  }
0xac: {  	v4 =	vor.u32 v4, v6  }
0xad: {  	v6 =	vperm.xlane v4, v1;
	_ =	sdelay $0x1  }
0xae: {  	v6 =	vadd.s32 v2, v6;
	_ =	sdelay $0x3  }
0xaf: {  	s2 =	simm.s32 $0x8400;
	[tilespmem:$0x10580] =	vst v5  }
0xb0: {  	[hbm4b:s10+s5] =	stream.indirect_vreg.scatter [tilespmem:s2], [sflag:$0x4], $0x80, v6, vm0, $0xb8;
	[tilespmem:$0x10B00] =	vst v63  }
0xb1: {  	s20 =	simm.s32 $0x8C00;
	s23 =	sadd.s32 $0x100, s10  }
0xb2: {  	[hbm4b:s23+s5] =	stream.indirect_vreg.scatter [tilespmem:s20], [sflag:$0x4], $0x80, v6, vm0, $0xb8;
	[tilespmem:$0x10B00] =	vst v63  }
0xb3: {  	s21 =	simm.s32 $0x9400;
	s6 =	sadd.s32 $0x200, s10  }
0xb4: {  	[hbm4b:s6+s5] =	stream.indirect_vreg.scatter [tilespmem:s21], [sflag:$0x4], $0x80, v6, vm0, $0xb8;
	[tilespmem:$0x10B00] =	vst v63  }
0xb5: {  	s22 =	simm.s32 $0x9C00;
	s7 =	sadd.s32 $0x300, s10  }
0xb6: {  	[hbm4b:s7+s5] =	stream.indirect_vreg.scatter [tilespmem:s22], [sflag:$0x4], $0x80, v6, vm0, $0xb8;
	[tilespmem:$0x10B00] =	vst v63  }
0xb7: {  	s24 =	simm.s32 $0xA400;
	s8 =	sadd.s32 $0x400, s10  }
0xb8: {  	[hbm4b:s8+s5] =	stream.indirect_vreg.scatter [tilespmem:s24], [sflag:$0x4], $0x80, v6, vm0, $0xb8;
	[tilespmem:$0x10B00] =	vst v63  }
0xb9: {  	s28 =	simm.s32 $0xAC00;
	s17 =	sadd.s32 $0x500, s10;
	v4 =	vperm.xlane v4, v3  }
0xba: {  	[hbm4b:s17+s5] =	stream.indirect_vreg.scatter [tilespmem:s28], [sflag:$0x4], $0x80, v6, vm0, $0xb8;
	[tilespmem:$0x10B00] =	vst v63  }
0xbb: {  	s29 =	simm.s32 $0xB400;
	s19 =	sadd.s32 $0x600, s10;
	v4 =	vadd.s32 v2, v4  }
0xbc: {  	[hbm4b:s19+s5] =	stream.indirect_vreg.scatter [tilespmem:s29], [sflag:$0x4], $0x80, v6, vm0, $0xb8;
	[tilespmem:$0x10B00] =	vst v63  }
0xbd: {  	s0 =	simm.s32 $0xBC00;
	s20 =	sadd.s32 $0x700, s10  }
0xbe: {  	[hbm4b:s20+s5] =	stream.indirect_vreg.scatter [tilespmem:s0], [sflag:$0x4], $0x80, v6, vm0, $0xb8;
	[tilespmem:$0x10B00] =	vst v63  }
0xbf: {  	s3 =	simm.s32 $0xC400  }
0xc0: {  	[hbm4b:s10+s5] =	stream.indirect_vreg.scatter [tilespmem:s3], [sflag:$0x4], $0x80, v4, vm0, $0xb8;
	[tilespmem:$0x10B00] =	vst v63  }
0xc1: {  	s21 =	simm.s32 $0xCC00  }
0xc2: {  	[hbm4b:s23+s5] =	stream.indirect_vreg.scatter [tilespmem:s21], [sflag:$0x4], $0x80, v4, vm0, $0xb8;
	[tilespmem:$0x10B00] =	vst v63  }
0xc3: {  	s24 =	simm.s32 $0xD400  }
0xc4: {  	[hbm4b:s6+s5] =	stream.indirect_vreg.scatter [tilespmem:s24], [sflag:$0x4], $0x80, v4, vm0, $0xb8;
	[tilespmem:$0x10B00] =	vst v63  }
0xc5: {  	s28 =	simm.s32 $0xDC00  }
0xc6: {  	[hbm4b:s7+s5] =	stream.indirect_vreg.scatter [tilespmem:s28], [sflag:$0x4], $0x80, v4, vm0, $0xb8;
	[tilespmem:$0x10B00] =	vst v63  }
0xc7: {  	s22 =	simm.s32 $0xE400  }
0xc8: {  	[hbm4b:s8+s5] =	stream.indirect_vreg.scatter [tilespmem:s22], [sflag:$0x4], $0x80, v4, vm0, $0xb8;
	[tilespmem:$0x10B00] =	vst v63  }
0xc9: {  	s22 =	simm.s32 $0xEC00  }
0xca: {  	[hbm4b:s17+s5] =	stream.indirect_vreg.scatter [tilespmem:s22], [sflag:$0x4], $0x80, v4, vm0, $0xb8;
	[tilespmem:$0x10B00] =	vst v63  }
0xcb: {  	s22 =	simm.s32 $0xF400  }
0xcc: {  	[hbm4b:s19+s5] =	stream.indirect_vreg.scatter [tilespmem:s22], [sflag:$0x4], $0x80, v4, vm0, $0xb8;
	[tilespmem:$0x10B00] =	vst v63  }
0xcd: {  	s22 =	simm.s32 $0xFC00  }
0xce: {  	[hbm4b:s20+s5] =	stream.indirect_vreg.scatter [tilespmem:s22], [sflag:$0x4], $0x80, v4, vm0, $0xb8;
	[tilespmem:$0x10B00] =	vst v63  }
0xcf: {  	v4 =	vld [tilespmem:$0x10580];
	_ =	sdelay $0x4  }
0xd0: {  	v5 =	vshll.u32 v4, $0x5  }
0xd1: {  	v4 =	vand.u32 $0x7, v4;
	v5 =	vand.u32 $0xFFFFFF00, v5  }
0xd2: {  	v4 =	vor.u32 v4, v5  }
0xd3: {  	v5 =	vperm.xlane v4, v1;
	_ =	sdelay $0x1  }
0xd4: {  	v5 =	vadd.s32 v2, v5;
	_ =	sdelay $0x4  }
0xd5: {  	[hbm4b:s10+s5] =	stream.indirect_vreg.scatter [tilespmem:s2], [sflag:$0x4], $0x80, v5, vm0, $0xb8;
	[tilespmem:$0x10B00] =	vst v63  }
0xd6: {  	s30 =	simm.s32 $0x8C00  }
0xd7: {  	[hbm4b:s23+s5] =	stream.indirect_vreg.scatter [tilespmem:s30], [sflag:$0x4], $0x80, v5, vm0, $0xb8;
	[tilespmem:$0x10B00] =	vst v63  }
0xd8: {  	s30 =	simm.s32 $0x9400  }
0xd9: {  	[hbm4b:s6+s5] =	stream.indirect_vreg.scatter [tilespmem:s30], [sflag:$0x4], $0x80, v5, vm0, $0xb8;
	[tilespmem:$0x10B00] =	vst v63  }
0xda: {  	s30 =	simm.s32 $0x9C00  }
0xdb: {  	[hbm4b:s7+s5] =	stream.indirect_vreg.scatter [tilespmem:s30], [sflag:$0x4], $0x80, v5, vm0, $0xb8;
	[tilespmem:$0x10B00] =	vst v63  }
0xdc: {  	s30 =	simm.s32 $0xA400  }
0xdd: {  	[hbm4b:s8+s5] =	stream.indirect_vreg.scatter [tilespmem:s30], [sflag:$0x4], $0x80, v5, vm0, $0xb8;
	[tilespmem:$0x10B00] =	vst v63  }
0xde: {  	v4 =	vperm.xlane v4, v3;
	s30 =	simm.s32 $0xAC00  }
0xdf: {  	[hbm4b:s17+s5] =	stream.indirect_vreg.scatter [tilespmem:s30], [sflag:$0x4], $0x80, v5, vm0, $0xb8;
	[tilespmem:$0x10B00] =	vst v63  }
0xe0: {  	v4 =	vadd.s32 v2, v4;
	s30 =	simm.s32 $0xB400  }
0xe1: {  	[hbm4b:s19+s5] =	stream.indirect_vreg.scatter [tilespmem:s30], [sflag:$0x4], $0x80, v5, vm0, $0xb8;
	[tilespmem:$0x10B00] =	vst v63  }
0xe2: {  	s0 =	simm.s32 $0xBC00  }
0xe3: {  	[hbm4b:s20+s5] =	stream.indirect_vreg.scatter [tilespmem:s0], [sflag:$0x4], $0x80, v5, vm0, $0xb8;
	[tilespmem:$0x10B00] =	vst v63  }
0xe4: {  	s3 =	simm.s32 $0xC400  }
0xe5: {  	[hbm4b:s10+s5] =	stream.indirect_vreg.scatter [tilespmem:s3], [sflag:$0x4], $0x80, v4, vm0, $0xb8;
	[tilespmem:$0x10B00] =	vst v63  }
0xe6: {  	s21 =	simm.s32 $0xCC00  }
0xe7: {  	[hbm4b:s23+s5] =	stream.indirect_vreg.scatter [tilespmem:s21], [sflag:$0x4], $0x80, v4, vm0, $0xb8;
	[tilespmem:$0x10B00] =	vst v63  }
0xe8: {  	s24 =	simm.s32 $0xD400  }
0xe9: {  	[hbm4b:s6+s5] =	stream.indirect_vreg.scatter [tilespmem:s24], [sflag:$0x4], $0x80, v4, vm0, $0xb8;
	[tilespmem:$0x10B00] =	vst v63  }
0xea: {  	s28 =	simm.s32 $0xDC00  }
0xeb: {  	[hbm4b:s7+s5] =	stream.indirect_vreg.scatter [tilespmem:s28], [sflag:$0x4], $0x80, v4, vm0, $0xb8;
	[tilespmem:$0x10B00] =	vst v63  }
0xec: {  	s28 =	simm.s32 $0xE400  }
0xed: {  	[hbm4b:s8+s5] =	stream.indirect_vreg.scatter [tilespmem:s28], [sflag:$0x4], $0x80, v4, vm0, $0xb8;
	[tilespmem:$0x10B00] =	vst v63  }
0xee: {  	s30 =	simm.s32 $0xEC00  }
0xef: {  	[hbm4b:s17+s5] =	stream.indirect_vreg.scatter [tilespmem:s30], [sflag:$0x4], $0x80, v4, vm0, $0xb8;
	[tilespmem:$0x10B00] =	vst v63  }
0xf0: {  	s2 =	simm.s32 $0xF400  }
0xf1: {  	[hbm4b:s19+s5] =	stream.indirect_vreg.scatter [tilespmem:s2], [sflag:$0x4], $0x80, v4, vm0, $0xb8;
	[tilespmem:$0x10B00] =	vst v63  }
0xf2: {  	s22 =	simm.s32 $0xFC00;
	s28 =	simm.s32 $0x3  }
0xf3: {  	[hbm4b:s20+s5] =	stream.indirect_vreg.scatter [tilespmem:s22], [sflag:$0x4], $0x80, v4, vm0, $0xb8;
	[tilespmem:$0x10B00] =	vst v63  }
0xf4: {  	_ =	swait.ge [sflag:s28], $0x8000  }
0xf5: {  	[sflag:s28] =	ssyncset.done $0x0  }
0xf6: {  	[sflag:s28] =	ssyncadd.s32 $0xFFFF8000  }
0xf7: {  	_ =	swait.ge [sflag:s28], $0x8000  }
0xf8: {  	[sflag:s28] =	ssyncset.done $0x0  }
0xf9: {  	s16 =	sadd.s32 $0x2000, s16;
	s3 =	simm.s32 $0x8000;
	[sflag:s28] =	ssyncadd.s32 $0xFFFF8000  }
0xfa: {  	[tilespmem:s26], [sflag:$0x1] =	stream.strided.gather [hbm4b:s16+s18], $0x8000, s3, s18, $0x38;
	[tilespmem:$0x10B00] =	vst v63  }
0xfb: {  	s18 =	simm.s32 $0x8  }
0xfc: {  	_ =	swait.ge [sflag:s18], $0x100  }
0xfd: {  	[sflag:s18] =	ssyncset.done $0x0  }
0xfe: {  	[sflag:s18] =	ssyncadd.s32 $0xFFFFFF00  }
0xff: {  	_ =	swait.ge [sflag:s18], $0x100  }
0x100: {  	s2 =	sld [smem:$0x7FD]  }
0x101: {  	s26 =	rddreg [dreg:$0x1e]  }
0x102: {  	s22 =	rddreg [dreg:$0x6];
	p1 =	sgt.u32 s26, $0xE  }
0x103: {  	[sflag:s18] =	ssyncset.done $0x0;
	s22 =	sadd.s32 @!p1 s2, s22;
	s2 =	sld [smem:$0x7FD]  }
0x104: {  	s24 =	rddreg [dreg:$0x7];
	[sflag:s18] =	ssyncadd.s32 $0xFFFFFF00;
	s3 =	simm.s32 @!p1 $0x0  }
0x105: {  	[tilespmem:s3], [sflag:$0x7] =	stream.linear.gather @!p1 [hbm4b:s22+s3], $0x100, $0x38;
	[tilespmem:$0x10B00] =	vst v63  }
0x106: {  	s22 =	sadd.s32 @!p1 s2, s24;
	s24 =	simm.s32 @!p1 $0x200  }
0x107: {  	[tilespmem:s24], [sflag:$0x7] =	stream.linear.gather @!p1 [hbm4b:s22+s3], $0x100, $0x38;
	[tilespmem:$0x10B00] =	vst v63  }
0x108: {  	v4 =	vld [tilespmem:$0x100]  }
0x109: {  	s29 =	simm.s32 $0x1;
	[dreg:$0x1e] =	wrdreg s26  }
0x10a: {  	v5 =	vld [tilespmem:$0x180];
	_ =	swait.ge [sflag:s29], $0x8000  }
0x10b: {  	[sflag:s29] =	ssyncset.done $0x0  }
0x10c: {  	[sflag:s29] =	ssyncadd.s32 $0xFFFF8000  }
0x10d: {  	[tilespmem:$0x10400] =	vst v4  }
0x10e: {  	v57 =	vld [tilespmem:$0x10400];
	_ =	sdelay $0x4  }
0x10f: {  	v58 =	vshll.u32 v57, $0x5  }
0x110: {  	v6 =	vand.u32 $0x7, v57;
	v7 =	vand.u32 $0xFFFFFF00, v58  }
0x111: {  	v6 =	vor.u32 v6, v7  }
0x112: {  	v7 =	vperm.xlane v6, v1;
	_ =	sdelay $0x1  }
0x113: {  	v7 =	vadd.s32 v2, v7;
	_ =	sdelay $0x3  }
0x114: {  	s3 =	smov.u32 s25;
	s25 =	simm.s32 $0x400;
	[tilespmem:$0x10480] =	vst v5  }
0x115: {  	[hbm4b:s1+s5] =	stream.indirect_vreg.scatter [tilespmem:s25], [sflag:$0x3], $0x80, v7, vm0, $0xb8;
	[tilespmem:$0x10B00] =	vst v63  }
0x116: {  	s2 =	simm.s32 $0xC00  }
0x117: {  	[hbm4b:s11+s5] =	stream.indirect_vreg.scatter [tilespmem:s2], [sflag:$0x3], $0x80, v7, vm0, $0xb8;
	[tilespmem:$0x10B00] =	vst v63  }
0x118: {  	s29 =	simm.s32 $0x1400  }
0x119: {  	[hbm4b:s12+s5] =	stream.indirect_vreg.scatter [tilespmem:s29], [sflag:$0x3], $0x80, v7, vm0, $0xb8;
	[tilespmem:$0x10B00] =	vst v63  }
0x11a: {  	s30 =	simm.s32 $0x1C00  }
0x11b: {  	[hbm4b:s13+s5] =	stream.indirect_vreg.scatter [tilespmem:s30], [sflag:$0x3], $0x80, v7, vm0, $0xb8;
	[tilespmem:$0x10B00] =	vst v63  }
0x11c: {  	s0 =	simm.s32 $0x2400  }
0x11d: {  	[hbm4b:s14+s5] =	stream.indirect_vreg.scatter [tilespmem:s0], [sflag:$0x3], $0x80, v7, vm0, $0xb8;
	[tilespmem:$0x10B00] =	vst v63  }
0x11e: {  	s16 =	simm.s32 $0x2C00;
	v6 =	vperm.xlane v6, v3  }
0x11f: {  	[hbm4b:s15+s5] =	stream.indirect_vreg.scatter [tilespmem:s16], [sflag:$0x3], $0x80, v7, vm0, $0xb8;
	[tilespmem:$0x10B00] =	vst v63  }
0x120: {  	s18 =	simm.s32 $0x3400;
	v6 =	vadd.s32 v2, v6  }
0x121: {  	[hbm4b:s9+s5] =	stream.indirect_vreg.scatter [tilespmem:s18], [sflag:$0x3], $0x80, v7, vm0, $0xb8;
	[tilespmem:$0x10B00] =	vst v63  }
0x122: {  	s21 =	simm.s32 $0x3C00  }
0x123: {  	[hbm4b:s31+s5] =	stream.indirect_vreg.scatter [tilespmem:s21], [sflag:$0x3], $0x80, v7, vm0, $0xb8;
	[tilespmem:$0x10B00] =	vst v63  }
0x124: {  	s21 =	simm.s32 $0x4400  }
0x125: {  	[hbm4b:s1+s5] =	stream.indirect_vreg.scatter [tilespmem:s21], [sflag:$0x3], $0x80, v6, vm0, $0xb8;
	[tilespmem:$0x10B00] =	vst v63  }
0x126: {  	s29 =	simm.s32 $0x4C00  }
0x127: {  	[hbm4b:s11+s5] =	stream.indirect_vreg.scatter [tilespmem:s29], [sflag:$0x3], $0x80, v6, vm0, $0xb8;
	[tilespmem:$0x10B00] =	vst v63  }
0x128: {  	s26 =	simm.s32 $0x5400  }
0x129: {  	[hbm4b:s12+s5] =	stream.indirect_vreg.scatter [tilespmem:s26], [sflag:$0x3], $0x80, v6, vm0, $0xb8;
	[tilespmem:$0x10B00] =	vst v63  }
0x12a: {  	s18 =	simm.s32 $0x5C00  }
0x12b: {  	[hbm4b:s13+s5] =	stream.indirect_vreg.scatter [tilespmem:s18], [sflag:$0x3], $0x80, v6, vm0, $0xb8;
	[tilespmem:$0x10B00] =	vst v63  }
0x12c: {  	s0 =	simm.s32 $0x6400  }
0x12d: {  	[hbm4b:s14+s5] =	stream.indirect_vreg.scatter [tilespmem:s0], [sflag:$0x3], $0x80, v6, vm0, $0xb8;
	[tilespmem:$0x10B00] =	vst v63  }
0x12e: {  	s16 =	simm.s32 $0x6C00  }
0x12f: {  	[hbm4b:s15+s5] =	stream.indirect_vreg.scatter [tilespmem:s16], [sflag:$0x3], $0x80, v6, vm0, $0xb8;
	[tilespmem:$0x10B00] =	vst v63  }
0x130: {  	s30 =	simm.s32 $0x7400  }
0x131: {  	[hbm4b:s9+s5] =	stream.indirect_vreg.scatter [tilespmem:s30], [sflag:$0x3], $0x80, v6, vm0, $0xb8;
	[tilespmem:$0x10B00] =	vst v63  }
0x132: {  	s24 =	simm.s32 $0x7C00  }
0x133: {  	[hbm4b:s31+s5] =	stream.indirect_vreg.scatter [tilespmem:s24], [sflag:$0x3], $0x80, v6, vm0, $0xb8;
	[tilespmem:$0x10B00] =	vst v63  }
0x134: {  	v6 =	vld [tilespmem:$0x10480];
	_ =	sdelay $0x4  }
0x135: {  	v59 =	vshll.u32 v6, $0x5  }
0x136: {  	v6 =	vand.u32 $0x7, v6;
	v7 =	vand.u32 $0xFFFFFF00, v59  }
0x137: {  	v6 =	vor.u32 v6, v7  }
0x138: {  	v7 =	vperm.xlane v6, v1;
	_ =	sdelay $0x1  }
0x139: {  	v7 =	vadd.s32 v2, v7;
	_ =	sdelay $0x4  }
0x13a: {  	[hbm4b:s1+s5] =	stream.indirect_vreg.scatter [tilespmem:s25], [sflag:$0x3], $0x80, v7, vm0, $0xb8;
	[tilespmem:$0x10B00] =	vst v63  }
0x13b: {  	_ = 	snop  }
0x13c: {  	[hbm4b:s11+s5] =	stream.indirect_vreg.scatter [tilespmem:s2], [sflag:$0x3], $0x80, v7, vm0, $0xb8;
	[tilespmem:$0x10B00] =	vst v63  }
0x13d: {  	s22 =	simm.s32 $0x1400  }
0x13e: {  	[hbm4b:s12+s5] =	stream.indirect_vreg.scatter [tilespmem:s22], [sflag:$0x3], $0x80, v7, vm0, $0xb8;
	[tilespmem:$0x10B00] =	vst v63  }
0x13f: {  	s25 =	simm.s32 $0x1C00  }
0x140: {  	[hbm4b:s13+s5] =	stream.indirect_vreg.scatter [tilespmem:s25], [sflag:$0x3], $0x80, v7, vm0, $0xb8;
	[tilespmem:$0x10B00] =	vst v63  }
0x141: {  	s22 =	simm.s32 $0x2400  }
0x142: {  	[hbm4b:s14+s5] =	stream.indirect_vreg.scatter [tilespmem:s22], [sflag:$0x3], $0x80, v7, vm0, $0xb8;
	[tilespmem:$0x10B00] =	vst v63  }
0x143: {  	v6 =	vperm.xlane v6, v3;
	s25 =	simm.s32 $0x2C00  }
0x144: {  	[hbm4b:s15+s5] =	stream.indirect_vreg.scatter [tilespmem:s25], [sflag:$0x3], $0x80, v7, vm0, $0xb8;
	[tilespmem:$0x10B00] =	vst v63  }
0x145: {  	v6 =	vadd.s32 v2, v6;
	s2 =	simm.s32 $0x3400  }
0x146: {  	[hbm4b:s9+s5] =	stream.indirect_vreg.scatter [tilespmem:s2], [sflag:$0x3], $0x80, v7, vm0, $0xb8;
	[tilespmem:$0x10B00] =	vst v63  }
0x147: {  	s22 =	simm.s32 $0x3C00  }
0x148: {  	[hbm4b:s31+s5] =	stream.indirect_vreg.scatter [tilespmem:s22], [sflag:$0x3], $0x80, v7, vm0, $0xb8;
	[tilespmem:$0x10B00] =	vst v63  }
0x149: {  	_ = 	snop  }
0x14a: {  	[hbm4b:s1+s5] =	stream.indirect_vreg.scatter [tilespmem:s21], [sflag:$0x3], $0x80, v6, vm0, $0xb8;
	[tilespmem:$0x10B00] =	vst v63  }
0x14b: {  	_ = 	snop  }
0x14c: {  	[hbm4b:s11+s5] =	stream.indirect_vreg.scatter [tilespmem:s29], [sflag:$0x3], $0x80, v6, vm0, $0xb8;
	[tilespmem:$0x10B00] =	vst v63  }
0x14d: {  	_ = 	snop  }
0x14e: {  	[hbm4b:s12+s5] =	stream.indirect_vreg.scatter [tilespmem:s26], [sflag:$0x3], $0x80, v6, vm0, $0xb8;
	[tilespmem:$0x10B00] =	vst v63  }
0x14f: {  	_ = 	snop  }
0x150: {  	[hbm4b:s13+s5] =	stream.indirect_vreg.scatter [tilespmem:s18], [sflag:$0x3], $0x80, v6, vm0, $0xb8;
	[tilespmem:$0x10B00] =	vst v63  }
0x151: {  	_ = 	snop  }
0x152: {  	[hbm4b:s14+s5] =	stream.indirect_vreg.scatter [tilespmem:s0], [sflag:$0x3], $0x80, v6, vm0, $0xb8;
	[tilespmem:$0x10B00] =	vst v63  }
0x153: {  	_ = 	snop  }
0x154: {  	[hbm4b:s15+s5] =	stream.indirect_vreg.scatter [tilespmem:s16], [sflag:$0x3], $0x80, v6, vm0, $0xb8;
	[tilespmem:$0x10B00] =	vst v63  }
0x155: {  	_ = 	snop  }
0x156: {  	[hbm4b:s9+s5] =	stream.indirect_vreg.scatter [tilespmem:s30], [sflag:$0x3], $0x80, v6, vm0, $0xb8;
	[tilespmem:$0x10B00] =	vst v63  }
0x157: {  	s22 =	simm.s32 @!p0 $0x6  }
0x158: {  	[hbm4b:s31+s5] =	stream.indirect_vreg.scatter [tilespmem:s24], [sflag:$0x3], $0x80, v6, vm0, $0xb8;
	[tilespmem:$0x10B00] =	vst v63  }
0x159: {  	_ =	swait.ge @!p0 [sflag:s22], $0x10  }
0x15a: {  	[sflag:s22] =	ssyncset.done @!p0 $0x0  }
0x15b: {  	[sflag:s22] =	ssyncadd.s32 @!p0 $0xFFFFFFF0  }
0x15c: {  	_ =	swait.ge @!p0 [sflag:s22], $0x10  }
0x15d: {  	[sflag:s22] =	ssyncset.done @!p0 $0x0  }
0x15e: {  	[sflag:s22] =	ssyncadd.s32 @!p0 $0xFFFFFFF0  }
0x15f: {  	_ =	swait.ge @!p0 [sflag:s22], $0x10  }
0x160: {  	[sflag:s22] =	ssyncset.done @!p0 $0x0  }
0x161: {  	[sflag:s22] =	ssyncadd.s32 @!p0 $0xFFFFFFF0  }
0x162: {  	_ =	swait.ge @!p0 [sflag:s22], $0x10  }
0x163: {  	[sflag:s22] =	ssyncset.done @!p0 $0x0  }
0x164: {  	[sflag:s22] =	ssyncadd.s32 @!p0 $0xFFFFFFF0  }
0x165: {  	v60 =	vld [tilespmem:$0x300]  }
0x166: {  	s25 =	rddreg [dreg:$0x1f];
	v62 =	vld [tilespmem:$0x380]  }
0x167: {  	s26 =	sadd.s32 $0x10, s25;
	[tilespmem:$0x10680] =	vst v4  }
0x168: {  	v61 =	vor.u32 s26, v0;
	[tilespmem:$0x10780] =	vst v5  }
0x169: {  	[tilespmem:$0x10880] =	vst v61  }
0x16a: {  	s29 =	simm.s32 $0x10680;
	[tilespmem:$0x10980] =	vst v60  }
0x16b: {  	s30 =	simm.s32 $0x10880;
	s31 =	simm.s32 $0x10;
	s9 =	rddreg [dreg:$0xe];
	[tilespmem:$0x10A80] =	vst v62  }
0x16c: {  	[hbm4b:s3+s31] =	stream.indirect.scatter [tilespmem:s30], [sflag:$0x6], $0x1, s29, s31, $0xb8;
	[tilespmem:$0x10B00] =	vst v63  }
0x16d: {  	s11 =	simm.s32 $0x10780;
	s12 =	rddreg [dreg:$0xf]  }
0x16e: {  	[hbm4b:s3+s31] =	stream.indirect.scatter [tilespmem:s30], [sflag:$0x6], $0x1, s11, s31, $0xb8;
	[tilespmem:$0x10B00] =	vst v63  }
0x16f: {  	s13 =	rddreg [dreg:$0x4]  }
0x170: {  	[hbm4b:s13+s31] =	stream.indirect.scatter [tilespmem:s9], [sflag:$0x6], $0x1, s29, s31, $0xb8;
	[tilespmem:$0x10B00] =	vst v63  }
0x171: {  	s18 =	simm.s32 $0x4;
	s14 =	simm.s32 $0x10;
	s16 =	rddreg [dreg:$0x4]  }
0x172: {  	[hbm4b:s16+s14] =	stream.indirect.scatter [tilespmem:s12], [sflag:$0x6], $0x1, s11, s14, $0xb8;
	[tilespmem:$0x10B00] =	vst v63  }
0x173: {  	_ =	swait.ge [sflag:s18], $0x8000  }
0x174: {  	[sflag:s18] =	ssyncset.done $0x0  }
0x175: {  	[sflag:s18] =	ssyncadd.s32 $0xFFFF8000  }
0x176: {  	_ =	swait.ge [sflag:s18], $0x8000  }
0x177: {  	s21 =	sld [smem:$0x7FC]  }
0x178: {  	s15 =	simm.s32 $0x8000  }
0x179: {  	s26 =	simm.s32 $0x8400;
	s30 =	simm.s32 $0x2;
	[sflag:s18] =	ssyncset.done $0x0  }
0x17a: {  	s29 =	simm.s32 $0x4000;
	[sflag:s18] =	ssyncadd.s32 $0xFFFF8000;
	s25 =	sadd.s32 $0x2800, s21  }
0x17b: {  	[tilespmem:s26], [sflag:$0x2] =	stream.strided.gather [hbm4b:s25+s29], $0x8000, s15, s29, $0x38;
	[tilespmem:$0x10B00] =	vst v63  }
0x17c: {  	_ =	swait.ge [sflag:s30], $0x8000  }
0x17d: {  	[sflag:s30] =	ssyncset.done $0x0  }
0x17e: {  	[sflag:s30] =	ssyncadd.s32 $0xFFFF8000  }
0x17f: {  	[tilespmem:$0x10500] =	vst v4  }
0x180: {  	v4 =	vld [tilespmem:$0x10500];
	_ =	sdelay $0x4  }
0x181: {  	v63 =	vshll.u32 v4, $0x5  }
0x182: {  	v4 =	vand.u32 $0x7, v4;
	v6 =	vand.u32 $0xFFFFFF00, v63  }
0x183: {  	v4 =	vor.u32 v4, v6  }
0x184: {  	v6 =	vperm.xlane v4, v1;
	_ =	sdelay $0x1  }
0x185: {  	v6 =	vadd.s32 v2, v6;
	_ =	sdelay $0x3  }
0x186: {  	[tilespmem:$0x10580] =	vst v5  }
0x187: {  	[hbm4b:s10+s5] =	stream.indirect_vreg.scatter [tilespmem:s26], [sflag:$0x4], $0x80, v6, vm0, $0xb8;
	[tilespmem:$0x10B00] =	vst v63  }
0x188: {  	s3 =	simm.s32 $0x8C00  }
0x189: {  	[hbm4b:s23+s5] =	stream.indirect_vreg.scatter [tilespmem:s3], [sflag:$0x4], $0x80, v6, vm0, $0xb8;
	[tilespmem:$0x10B00] =	vst v63  }
0x18a: {  	s25 =	simm.s32 $0x9400  }
0x18b: {  	[hbm4b:s6+s5] =	stream.indirect_vreg.scatter [tilespmem:s25], [sflag:$0x4], $0x80, v6, vm0, $0xb8;
	[tilespmem:$0x10B00] =	vst v63  }
0x18c: {  	s9 =	simm.s32 $0x9C00  }
0x18d: {  	[hbm4b:s7+s5] =	stream.indirect_vreg.scatter [tilespmem:s9], [sflag:$0x4], $0x80, v6, vm0, $0xb8;
	[tilespmem:$0x10B00] =	vst v63  }
0x18e: {  	s30 =	simm.s32 $0xA400  }
0x18f: {  	[hbm4b:s8+s5] =	stream.indirect_vreg.scatter [tilespmem:s30], [sflag:$0x4], $0x80, v6, vm0, $0xb8;
	[tilespmem:$0x10B00] =	vst v63  }
0x190: {  	s11 =	simm.s32 $0xAC00;
	v4 =	vperm.xlane v4, v3  }
0x191: {  	[hbm4b:s17+s5] =	stream.indirect_vreg.scatter [tilespmem:s11], [sflag:$0x4], $0x80, v6, vm0, $0xb8;
	[tilespmem:$0x10B00] =	vst v63  }
0x192: {  	s18 =	simm.s32 $0xB400;
	v4 =	vadd.s32 v2, v4  }
0x193: {  	[hbm4b:s19+s5] =	stream.indirect_vreg.scatter [tilespmem:s18], [sflag:$0x4], $0x80, v6, vm0, $0xb8;
	[tilespmem:$0x10B00] =	vst v63  }
0x194: {  	s22 =	simm.s32 $0xBC00  }
0x195: {  	[hbm4b:s20+s5] =	stream.indirect_vreg.scatter [tilespmem:s22], [sflag:$0x4], $0x80, v6, vm0, $0xb8;
	[tilespmem:$0x10B00] =	vst v63  }
0x196: {  	s12 =	simm.s32 $0xC400  }
0x197: {  	[hbm4b:s10+s5] =	stream.indirect_vreg.scatter [tilespmem:s12], [sflag:$0x4], $0x80, v4, vm0, $0xb8;
	[tilespmem:$0x10B00] =	vst v63  }
0x198: {  	s13 =	simm.s32 $0xCC00  }
0x199: {  	[hbm4b:s23+s5] =	stream.indirect_vreg.scatter [tilespmem:s13], [sflag:$0x4], $0x80, v4, vm0, $0xb8;
	[tilespmem:$0x10B00] =	vst v63  }
0x19a: {  	s14 =	simm.s32 $0xD400  }
0x19b: {  	[hbm4b:s6+s5] =	stream.indirect_vreg.scatter [tilespmem:s14], [sflag:$0x4], $0x80, v4, vm0, $0xb8;
	[tilespmem:$0x10B00] =	vst v63  }
0x19c: {  	s15 =	simm.s32 $0xDC00  }
0x19d: {  	[hbm4b:s7+s5] =	stream.indirect_vreg.scatter [tilespmem:s15], [sflag:$0x4], $0x80, v4, vm0, $0xb8;
	[tilespmem:$0x10B00] =	vst v63  }
0x19e: {  	s16 =	simm.s32 $0xE400  }
0x19f: {  	[hbm4b:s8+s5] =	stream.indirect_vreg.scatter [tilespmem:s16], [sflag:$0x4], $0x80, v4, vm0, $0xb8;
	[tilespmem:$0x10B00] =	vst v63  }
0x1a0: {  	s26 =	simm.s32 $0xEC00  }
0x1a1: {  	[hbm4b:s17+s5] =	stream.indirect_vreg.scatter [tilespmem:s26], [sflag:$0x4], $0x80, v4, vm0, $0xb8;
	[tilespmem:$0x10B00] =	vst v63  }
0x1a2: {  	s29 =	simm.s32 $0xF400  }
0x1a3: {  	[hbm4b:s19+s5] =	stream.indirect_vreg.scatter [tilespmem:s29], [sflag:$0x4], $0x80, v4, vm0, $0xb8;
	[tilespmem:$0x10B00] =	vst v63  }
0x1a4: {  	s0 =	simm.s32 $0xFC00  }
0x1a5: {  	[hbm4b:s20+s5] =	stream.indirect_vreg.scatter [tilespmem:s0], [sflag:$0x4], $0x80, v4, vm0, $0xb8;
	[tilespmem:$0x10B00] =	vst v63  }
0x1a6: {  	v4 =	vld [tilespmem:$0x10580];
	_ =	sdelay $0x4  }
0x1a7: {  	v5 =	vshll.u32 v4, $0x5  }
0x1a8: {  	v4 =	vand.u32 $0x7, v4;
	v5 =	vand.u32 $0xFFFFFF00, v5  }
0x1a9: {  	v4 =	vor.u32 v4, v5  }
0x1aa: {  	v5 =	vperm.xlane v4, v1;
	_ =	sdelay $0x1  }
0x1ab: {  	v5 =	vadd.s32 v2, v5;
	_ =	sdelay $0x3  }
0x1ac: {  	s31 =	simm.s32 $0x8400  }
0x1ad: {  	[hbm4b:s10+s5] =	stream.indirect_vreg.scatter [tilespmem:s31], [sflag:$0x4], $0x80, v5, vm0, $0xb8;
	[tilespmem:$0x10B00] =	vst v63  }
0x1ae: {  	_ = 	snop  }
0x1af: {  	[hbm4b:s23+s5] =	stream.indirect_vreg.scatter [tilespmem:s3], [sflag:$0x4], $0x80, v5, vm0, $0xb8;
	[tilespmem:$0x10B00] =	vst v63  }
0x1b0: {  	_ = 	snop  }
0x1b1: {  	[hbm4b:s6+s5] =	stream.indirect_vreg.scatter [tilespmem:s25], [sflag:$0x4], $0x80, v5, vm0, $0xb8;
	[tilespmem:$0x10B00] =	vst v63  }
0x1b2: {  	_ = 	snop  }
0x1b3: {  	[hbm4b:s7+s5] =	stream.indirect_vreg.scatter [tilespmem:s9], [sflag:$0x4], $0x80, v5, vm0, $0xb8;
	[tilespmem:$0x10B00] =	vst v63  }
0x1b4: {  	_ = 	snop  }
0x1b5: {  	[hbm4b:s8+s5] =	stream.indirect_vreg.scatter [tilespmem:s30], [sflag:$0x4], $0x80, v5, vm0, $0xb8;
	[tilespmem:$0x10B00] =	vst v63  }
0x1b6: {  	v4 =	vperm.xlane v4, v3  }
0x1b7: {  	[hbm4b:s17+s5] =	stream.indirect_vreg.scatter [tilespmem:s11], [sflag:$0x4], $0x80, v5, vm0, $0xb8;
	[tilespmem:$0x10B00] =	vst v63  }
0x1b8: {  	v4 =	vadd.s32 v2, v4  }
0x1b9: {  	[hbm4b:s19+s5] =	stream.indirect_vreg.scatter [tilespmem:s18], [sflag:$0x4], $0x80, v5, vm0, $0xb8;
	[tilespmem:$0x10B00] =	vst v63  }
0x1ba: {  	_ = 	snop  }
0x1bb: {  	[hbm4b:s20+s5] =	stream.indirect_vreg.scatter [tilespmem:s22], [sflag:$0x4], $0x80, v5, vm0, $0xb8;
	[tilespmem:$0x10B00] =	vst v63  }
0x1bc: {  	_ = 	snop  }
0x1bd: {  	[hbm4b:s10+s5] =	stream.indirect_vreg.scatter [tilespmem:s12], [sflag:$0x4], $0x80, v4, vm0, $0xb8;
	[tilespmem:$0x10B00] =	vst v63  }
0x1be: {  	_ = 	snop  }
0x1bf: {  	[hbm4b:s23+s5] =	stream.indirect_vreg.scatter [tilespmem:s13], [sflag:$0x4], $0x80, v4, vm0, $0xb8;
	[tilespmem:$0x10B00] =	vst v63  }
0x1c0: {  	_ = 	snop  }
0x1c1: {  	[hbm4b:s6+s5] =	stream.indirect_vreg.scatter [tilespmem:s14], [sflag:$0x4], $0x80, v4, vm0, $0xb8;
	[tilespmem:$0x10B00] =	vst v63  }
0x1c2: {  	_ = 	snop  }
0x1c3: {  	[hbm4b:s7+s5] =	stream.indirect_vreg.scatter [tilespmem:s15], [sflag:$0x4], $0x80, v4, vm0, $0xb8;
	[tilespmem:$0x10B00] =	vst v63  }
0x1c4: {  	_ = 	snop  }
0x1c5: {  	[hbm4b:s8+s5] =	stream.indirect_vreg.scatter [tilespmem:s16], [sflag:$0x4], $0x80, v4, vm0, $0xb8;
	[tilespmem:$0x10B00] =	vst v63  }
0x1c6: {  	s31 =	sld [smem:$0x7FD]  }
0x1c7: {  	[hbm4b:s17+s5] =	stream.indirect_vreg.scatter [tilespmem:s26], [sflag:$0x4], $0x80, v4, vm0, $0xb8;
	[tilespmem:$0x10B00] =	vst v63  }
0x1c8: {  	s24 =	simm.s32 $0x3400;
	s30 =	rddreg [dreg:$0x1f]  }
0x1c9: {  	[hbm4b:s19+s5] =	stream.indirect_vreg.scatter [tilespmem:s29], [sflag:$0x4], $0x80, v4, vm0, $0xb8;
	[tilespmem:$0x10B00] =	vst v63  }
0x1ca: {  	s21 =	simm.s32 $0x1400;
	s2 =	sadd.s32 $0x40, s31;
	s22 =	sadd.s32 $0x20, s30  }
0x1cb: {  	[hbm4b:s20+s5] =	stream.indirect_vreg.scatter [tilespmem:s0], [sflag:$0x4], $0x80, v4, vm0, $0xb8;
	[tilespmem:$0x10B00] =	vst v63  }
0x1cc: {  	s23 =	simm.s32 $0x2400;
	s19 =	rddreg [dreg:$0x15];
	_ =	swait.ge [sflag:s28], $0x8000  }
0x1cd: {  	s6 =	sadd.s32 @!p1 s4, s19;
	s4 =	sadd.s32 $0x4000, s4;
	[sflag:s28] =	ssyncset.done $0x0  }
0x1ce: {  	s7 =	simm.s32 @!p1 $0x4000;
	p0 =	sne.s32 s4, $0x20000;
	[sflag:s28] =	ssyncadd.s32 $0xFFFF8000  }
.Ltmp0:
0x1cf: {  	s8 =	simm.s32 @!p1 $0x8000;
	_ =	swait.ge [sflag:s28], $0x8000;
	(pc) =	sbr.rel @p0 .LBB2_2-.Ltmp0, $4  }
0x1d0: {  	s17 =	simm.s32 @!p1 $0x400;
	[sflag:s28] =	ssyncset.done $0x0;
	s31 =	rddreg [dreg:$0x1e]  }
0x1d1: {  	s6 =	sadd.s32 @!p1 $0x4000, s6;
	[sflag:s28] =	ssyncadd.s32 $0xFFFF8000;
	s0 =	sadd.s32 $0x2, s31  }
0x1d2: {  	[tilespmem:s17], [sflag:$0x1] =	stream.strided.gather @!p1 [hbm4b:s6+s7], $0x8000, s8, s7, $0x38;
	[tilespmem:$0x10B00] =	vst v63  }
0x1d3: {  	s20 =	simm.s32 $0x1;
	s17 =	simm.s32 $0x7;
	[dreg:$0x1e] =	wrdreg s0  }
0x1d4: {  	s0 =	simm.s32 $0x4  }
0x1d5: {  	_ =	swait.ge [sflag:s0], $0x8000  }
0x1d6: {  	[sflag:s0] =	ssyncset.done $0x0  }
0x1d7: {  	[sflag:s0] =	ssyncadd.s32 $0xFFFF8000  }
0x1d8: {  	_ =	swait.ge [sflag:s0], $0x8000  }
0x1d9: {  	[sflag:s0] =	ssyncset.done $0x0  }
0x1da: {  	s30 =	simm.s32 $0x5;
	[sflag:s0] =	ssyncadd.s32 $0xFFFF8000  }
0x1db: {  	_ =	swait.ge [sflag:s30], $0x10  }
0x1dc: {  	[sflag:s30] =	ssyncset.done $0x0  }
0x1dd: {  	[sflag:s30] =	ssyncadd.s32 $0xFFFFFFF0  }
0x1de: {  	_ =	swait.ge [sflag:s30], $0x10  }
0x1df: {  	[sflag:s30] =	ssyncset.done $0x0  }
0x1e0: {  	[sflag:s30] =	ssyncadd.s32 $0xFFFFFFF0  }
0x1e1: {  	_ =	swait.ge [sflag:s30], $0x10  }
0x1e2: {  	[sflag:s30] =	ssyncset.done $0x0  }
0x1e3: {  	[sflag:s30] =	ssyncadd.s32 $0xFFFFFFF0  }
0x1e4: {  	_ =	swait.ge [sflag:s30], $0x10  }
0x1e5: {  	[sflag:s30] =	ssyncset.done $0x0  }
0x1e6: {  	s4 =	simm.s32 $0x6;
	[sflag:s30] =	ssyncadd.s32 $0xFFFFFFF0  }
0x1e7: {  	_ =	swait.ge [sflag:s4], $0x10  }
0x1e8: {  	[sflag:s4] =	ssyncset.done $0x0  }
0x1e9: {  	[sflag:s4] =	ssyncadd.s32 $0xFFFFFFF0  }
0x1ea: {  	_ =	swait.ge [sflag:s4], $0x10  }
0x1eb: {  	[sflag:s4] =	ssyncset.done $0x0  }
0x1ec: {  	[sflag:s4] =	ssyncadd.s32 $0xFFFFFFF0  }
0x1ed: {  	_ =	swait.ge [sflag:s4], $0x10  }
0x1ee: {  	[sflag:s4] =	ssyncset.done $0x0  }
0x1ef: {  	[sflag:s4] =	ssyncadd.s32 $0xFFFFFFF0  }
0x1f0: {  	_ =	swait.ge [sflag:s4], $0x10  }
0x1f1: {  	s6 =	rddreg [dreg:$0x1d]  }
0x1f2: {  	s31 =	rddreg [dreg:$0x13];
	s6 =	sadd.s32 $0x1, s6  }
0x1f3: {  	p0 =	sne.s32 s6, s31  }
.Ltmp1:
0x1f4: {  	_ = 	snop;
	(pc) =	sbr.rel @p0 .LBB2_1-.Ltmp1, $3  }
0x1f5: {  	_ =	sdelay $0x1  }
0x1f6: {  	[sflag:s4] =	ssyncset.done $0x0  }
0x1f7: {  	[sflag:s4] =	ssyncadd.s32 $0xFFFFFFF0;
	s4 =	simm.s32 $0x400  }
0x1f8: {  	_ =	sfence.sel $0x180000  }
0x1f9: {  	[bflag:$0x0] =	sbarrier.arrive $0xFFFF  }
0x1fa: {  	_ =	strace $0x90000047  }
0x1fb: {  	s0 =	stileid.u32;
	[bflag:$0x2] =	sbarrier.arrive $0xFFFF  }
0x1fc: {  	p0 =	sne.s32 s0, $0x0;
	s0 =	rddreg [dreg:$0x5]  }
0x1fd: {  	s0 =	sadd.s32 @!p0 $0x100000, s0  }
0x1fe: {  	[sflag:s0] =	ssyncadd.tile.s32 @!p0 $0x1;
	_ =	shalt  }
.Lfunc_end2:
_tile_overlayer_lowered:
.L_overlay_start_2:
0x1ff: {  	(tag) =	ssettag $0x2  }
0x200: {  	s0 =	rddreg [dreg:$0x0];
	s2 =	stileid.u32  }
0x201: {  	s1 =	rddreg [dreg:$0x1];
	p0 =	sne.s32 s2, $0x0  }
0x202: {  	s3 =	rddreg [dreg:$0x2];
	[bflag:$0x3] =	sbarrier.arrive $0xFFFF;
	s2 =	simm.s32 @!p0 $0x1C09  }
0x203: {  	[timem:s3], [sflag:s2] =	dma.local @!p0 [hbm:s0], s1  }
0x204: {  	s0 =	simm.s32 @!p0 $0x9  }
0x205: {  	_ =	swait.ge @!p0 [sflag:s0], s1  }
0x206: {  	s1 =	ssub.s32 @!p0 $0x0, s1;
	[sflag:s0] =	ssyncset.done @!p0 $0x0  }
0x207: {  	[sflag:s0] =	ssyncadd.s32 @!p0 s1  }
0x208: {  	[bflag:$0x3] =	sbarrier.arrive $0xFFFF  }
0x209: {  	_ =	shalt  }

</sc_bundles>
